<compile_context>
chip_gen: v7x
topology: tpu7x:2x2x1
jax: 0.10.2.dev20260603
libtpu: 0.0.44.dev20260713+nightly
codegen_flags: <defaults>
</compile_context>

<pallas_src>
import jax
import jax.numpy as jnp
from jax import lax
from jax.experimental import pallas as pl
from jax.experimental.pallas import tpu as pltpu
from jax.experimental.pallas import tpu_sc as plsc

N_NODES = 10000
N_EDGES = 320000
IN_CH = 128
OUT_CH = 128
HCH = OUT_CH // 2

NC = 2
NS = 16
CHUNK = 128

CHUNKS_PER_TILE = 158
EDGES_PER_TILE = CHUNKS_PER_TILE * CHUNK
E_PAD = EDGES_PER_TILE * NS
GROUPS = CHUNKS_PER_TILE // 2

N_DUMMY = 8
N_ROWS = N_NODES + N_DUMMY

RPT = 624
REM0 = RPT * NS


def _mm_body(x_ref, nrm_ref, w_ref, o_ref):
    o_ref[0] = jnp.dot(
        x_ref[...] * nrm_ref[...], w_ref[0],
        preferred_element_type=jnp.float32,
    )


def _finish_body(acc_ref, nrm_ref, b_ref, o_ref):
    o_ref[...] = (
        jnp.concatenate([acc_ref[0], acc_ref[1]], axis=1) * nrm_ref[...]
        + b_ref[...]
    )


def _mm_call(x, norm, w2):
    R = 10000
    return pl.pallas_call(
        _mm_body,
        grid=(NC, N_NODES // R),
        in_specs=[
            pl.BlockSpec((R, IN_CH), lambda j, i: (i, 0)),
            pl.BlockSpec((R, 1), lambda j, i: (i, 0)),
            pl.BlockSpec((1, IN_CH, HCH), lambda j, i: (j, 0, 0)),
        ],
        out_specs=pl.BlockSpec((1, R, HCH), lambda j, i: (j, i, 0)),
        out_shape=jax.ShapeDtypeStruct((NC, N_ROWS, HCH), jnp.float32),
    )(x, norm, w2)


def _scatter_body(h2_hbm, idxp_hbm, zeros_hbm, out_hbm,
                  h_sp, acc, idxpb, sbufs, dbufs, msgs, lsems, gsems, ssems):
    c = lax.axis_index("c")
    s = lax.axis_index("s")

    r0 = s * RPT
    pltpu.sync_copy(zeros_hbm.at[pl.ds(r0, RPT)], acc.at[pl.ds(r0, RPT)])
    pltpu.sync_copy(h2_hbm.at[c, pl.ds(r0, RPT)], h_sp.at[pl.ds(r0, RPT)])

    @pl.when(s == 0)
    def _():
        pltpu.sync_copy(zeros_hbm.at[pl.ds(REM0, N_ROWS - REM0)],
                        acc.at[pl.ds(REM0, N_ROWS - REM0)])
        pltpu.sync_copy(h2_hbm.at[c, pl.ds(REM0, N_ROWS - REM0)],
                        h_sp.at[pl.ds(REM0, N_ROWS - REM0)])

    plsc.subcore_barrier()

    def load(ci, b):
        return pltpu.make_async_copy(idxp_hbm.at[s, ci], idxpb.at[b],
                                     lsems.at[b])

    def unpack_src(b):
        row = idxpb.at[b]
        sb = sbufs.at[b]
        for j in range(CHUNK // 16):
            v = row[pl.ds(j * 16, 16)]
            sb[pl.ds(j * 16, 16)] = jnp.bitwise_and(v, 0xFFFF)

    def unpack_dst(b):
        row = idxpb.at[b]
        db = dbufs.at[b]
        for j in range(CHUNK // 16):
            v = row[pl.ds(j * 16, 16)]
            db[pl.ds(j * 16, 16)] = jnp.right_shift(v, 16)

    def gather(b):
        return pltpu.make_async_copy(h_sp.at[sbufs.at[b]], msgs.at[b],
                                     gsems.at[b])

    def scatter(b):
        return pltpu.make_async_copy(msgs.at[b], acc.at[dbufs.at[b]],
                                     ssems.at[b])

    load(0, 0).start()
    load(1, 1).start()
    load(0, 0).wait()
    unpack_src(0)
    unpack_dst(0)
    load(2, 0).start()
    load(1, 1).wait()
    unpack_src(1)
    gather(0).start()

    def body(k, carry):
        c0 = 2 * k
        c1 = c0 + 1
        more = k < GROUPS - 1

        gather(0).wait()
        scatter(0).start(add=True)

        @pl.when(more)
        def _():
            load(c0 + 2, 0).wait()
            unpack_src(0)

        @pl.when(k > 0)
        def _():
            scatter(1).wait()

        unpack_dst(1)

        @pl.when(more)
        def _():
            load(c1 + 2, 1).start()

        gather(1).start()
        gather(1).wait()
        scatter(1).start(add=True)

        @pl.when(more)
        def _():
            load(c1 + 2, 1).wait()
            unpack_src(1)

        scatter(0).wait()

        @pl.when(more)
        def _():
            unpack_dst(0)
            gather(0).start()

        @pl.when(k < GROUPS - 2)
        def _():
            load(c0 + 4, 0).start()

        return carry

    lax.fori_loop(0, GROUPS, body, 0)
    scatter(1).wait()
    plsc.subcore_barrier()

    pltpu.sync_copy(acc.at[pl.ds(r0, RPT)], out_hbm.at[c, pl.ds(r0, RPT)])

    @pl.when(s == 0)
    def _():
        pltpu.sync_copy(acc.at[pl.ds(REM0, N_NODES - REM0)],
                        out_hbm.at[c, pl.ds(REM0, N_NODES - REM0)])


@jax.jit
def kernel(x, edge_index, norm, weight, bias):
    x = x.astype(jnp.float32)
    norm = norm.astype(jnp.float32)

    src = edge_index[0].astype(jnp.int32)
    dst = edge_index[1].astype(jnp.int32)
    ppt = EDGES_PER_TILE - N_EDGES // NS
    src = jnp.concatenate(
        [src.reshape(NS, N_EDGES // NS),
         jnp.zeros((NS, ppt), jnp.int32)], axis=1)
    dpad = N_NODES + (jnp.arange(ppt, dtype=jnp.int32) % N_DUMMY)
    dst = jnp.concatenate(
        [dst.reshape(NS, N_EDGES // NS),
         jnp.broadcast_to(dpad, (NS, ppt))], axis=1)
    idxp = (src + dst * 65536).reshape(NS, CHUNKS_PER_TILE, CHUNK)

    w2 = jnp.moveaxis(weight.reshape(IN_CH, NC, HCH), 1, 0)
    h2 = _mm_call(x, norm, w2)

    zeros = jnp.zeros((N_ROWS, HCH), jnp.float32)
    mesh = plsc.VectorSubcoreMesh(core_axis_name="c", subcore_axis_name="s")
    acc2 = pl.kernel(
        _scatter_body,
        out_type=jax.ShapeDtypeStruct((NC, N_NODES, HCH), jnp.float32),
        mesh=mesh,
        compiler_params=pltpu.CompilerParams(use_tc_tiling_on_sc=False),
        scratch_types=[
            pltpu.VMEM_SHARED((N_ROWS, HCH), jnp.float32),
            pltpu.VMEM_SHARED((N_ROWS, HCH), jnp.float32),
            pltpu.VMEM((2, CHUNK), jnp.int32),
            pltpu.VMEM((2, CHUNK), jnp.int32),
            pltpu.VMEM((2, CHUNK), jnp.int32),
            pltpu.VMEM((2, CHUNK, HCH), jnp.float32),
            pltpu.SemaphoreType.DMA((2,)),
            pltpu.SemaphoreType.DMA((2,)),
            pltpu.SemaphoreType.DMA((2,)),
        ],
    )(h2, idxp, zeros)

    R = 10000
    out = pl.pallas_call(
        _finish_body,
        grid=(N_NODES // R,),
        in_specs=[
            pl.BlockSpec((NC, R, HCH), lambda i: (0, i, 0)),
            pl.BlockSpec((R, 1), lambda i: (i, 0)),
            pl.BlockSpec((1, OUT_CH), lambda i: (0, 0)),
        ],
        out_specs=pl.BlockSpec((R, OUT_CH), lambda i: (i, 0)),
        out_shape=jax.ShapeDtypeStruct((N_NODES, OUT_CH), jnp.float32),
    )(acc2, norm, bias.reshape(1, OUT_CH))
    return out

# --- scband reference (transcript-rebuilt; emitter-appended) ---
"""Pipeline reference for scband-gcnconv-8366596292669 (READ-ONLY COPY).

The authoritative reference and input builder live on the scoring server;
editing this copy changes nothing except your own understanding.
"""

import jax, jax.numpy as jnp
import numpy as np

N_NODES = 10000
N_EDGES = 320000
IN_CH = 128
OUT_CH = 128


def setup_inputs(seed: int = 0) -> dict:
    key = jax.random.key(seed)
    k1, k2, k3, k4, k5 = jax.random.split(key, 5)
    x = jax.random.normal(k1, (N_NODES, IN_CH), dtype=jnp.float32)
    edge_index = jax.random.randint(k2, (2, N_EDGES), 0, N_NODES, dtype=jnp.int64)
    norm = jax.random.uniform(k3, (N_NODES, 1), dtype=jnp.float32)
    stdv = 1.0 / np.sqrt(OUT_CH)
    weight = jax.random.uniform(k4, (IN_CH, OUT_CH), dtype=jnp.float32, minval=-stdv, maxval=stdv)
    bias = jax.random.uniform(k5, (OUT_CH,), dtype=jnp.float32, minval=-stdv, maxval=stdv)
    return {"x": x, "edge_index": edge_index, "norm": norm, "weight": weight, "bias": bias}


def reference(x, edge_index, norm, weight, bias):
    # x = torch.mm(x, self.weight)
    h = jnp.dot(x, weight)
    # x = x * g.ndata['norm']
    h = h * norm
    # update_all(copy_src, sum): out[dst] = sum over incoming edges of h[src]
    src = edge_index[0]
    dst = edge_index[1]
    msgs = jnp.take(h, src, axis=0)
    agg = jax.ops.segment_sum(msgs, dst, num_segments=N_NODES)
    # x = x * norm again
    out = agg * norm
    # bias
    out = out + bias
    return out

if __name__ == "__main__":
    import jax
    _d = setup_inputs()
    print(jax.jit(kernel)(*tuple(_d.values())))

</pallas_src>

<mosaic_0001>
#map = affine_map<(d0, d1) -> (0, 0, 0)>
#map1 = affine_map<(d0, d1) -> (0, 0)>
module attributes {stable_mosaic.version = 14 : i64} {
  func.func @_scatter_body(%arg0: i32, %arg1: i32, %arg2: memref<2x10008x64xf32, #tpu.memory_space<hbm>>, %arg3: memref<16x158x128xi32, #tpu.memory_space<hbm>>, %arg4: memref<10008x64xf32, #tpu.memory_space<hbm>>, %arg5: memref<2x10000x64xf32, #tpu.memory_space<hbm>>, %arg6: memref<10008x64xf32, #tpu.memory_space<vmem_shared>>, %arg7: memref<10008x64xf32, #tpu.memory_space<vmem_shared>>, %arg8: memref<2x128xi32, #tpu.memory_space<vmem>>, %arg9: memref<2x128xi32, #tpu.memory_space<vmem>>, %arg10: memref<2x128xi32, #tpu.memory_space<vmem>>, %arg11: memref<2x128x64xf32, #tpu.memory_space<vmem>>, %arg12: memref<2x!tpu.dma_semaphore, #tpu.memory_space<semaphore_mem>>, %arg13: memref<2x!tpu.dma_semaphore, #tpu.memory_space<semaphore_mem>>, %arg14: memref<2x!tpu.dma_semaphore, #tpu.memory_space<semaphore_mem>>) attributes {dimension_semantics = [#tpu.dimension_semantics<core_parallel>, #tpu.dimension_semantics<subcore_parallel>], iteration_bounds = array<i64: 2, 16>, scalar_prefetch = 0 : i64, scratch_operands = 9 : i64, tpu.core_type = #tpu.core_type<sc_vector_subcore>, window_params = [{transform_indices = #map}, {transform_indices = #map}, {transform_indices = #map1}, {transform_indices = #map}]} {
    %mul3A = arith.constant 624 : i32
    %mul3A_0 = arith.muli %arg1, %mul3A : i32
    "tpu.region"() ({
      %run_scoped3A = tpu.sem_alloc : memref<!tpu.dma_semaphore, #tpu.memory_space<semaphore_mem>>
      %dma_start3A_555 = arith.constant 0 : i32
      %dma_start3A_556 = tpu.memref_slice %arg7[%mul3A_0, %dma_start3A_555] : memref<10008x64xf32, #tpu.memory_space<vmem_shared>> -> memref<624x64xf32, #tpu.memory_space<vmem_shared>>
      %dma_start3A_557 = arith.constant 0 : i32
      %dma_start3A_558 = tpu.memref_slice %arg4[%mul3A_0, %dma_start3A_557] : memref<10008x64xf32, #tpu.memory_space<hbm>> -> memref<624x64xf32, #tpu.memory_space<hbm>>
      tpu.enqueue_dma source(%dma_start3A_558 : memref<624x64xf32, #tpu.memory_space<hbm>>) target(%dma_start3A_556 : memref<624x64xf32, #tpu.memory_space<vmem_shared>>) target_semaphore(%run_scoped3A : memref<!tpu.dma_semaphore, #tpu.memory_space<semaphore_mem>>)
      %dma_wait3A_559 = arith.constant 0 : i32
      %dma_wait3A_560 = tpu.memref_slice %arg7[%mul3A_0, %dma_wait3A_559] : memref<10008x64xf32, #tpu.memory_space<vmem_shared>> -> memref<624x64xf32, #tpu.memory_space<vmem_shared>>
      %dma_wait3A_561 = arith.constant 0 : i32
      %dma_wait3A_562 = tpu.memref_slice %arg4[%mul3A_0, %dma_wait3A_561] : memref<10008x64xf32, #tpu.memory_space<hbm>> -> memref<624x64xf32, #tpu.memory_space<hbm>>
      tpu.wait_dma2 semaphore(%run_scoped3A : memref<!tpu.dma_semaphore, #tpu.memory_space<semaphore_mem>>) src(%dma_wait3A_562 : memref<624x64xf32, #tpu.memory_space<hbm>>) dst(%dma_wait3A_560 : memref<624x64xf32, #tpu.memory_space<vmem_shared>>)
      tpu.yield
    }) : () -> ()
    "tpu.region"() ({
      %run_scoped3A = tpu.sem_alloc : memref<!tpu.dma_semaphore, #tpu.memory_space<semaphore_mem>>
      %dma_start3A_555 = arith.constant 0 : i32
      %dma_start3A_556 = tpu.memref_slice %arg6[%mul3A_0, %dma_start3A_555] : memref<10008x64xf32, #tpu.memory_space<vmem_shared>> -> memref<624x64xf32, #tpu.memory_space<vmem_shared>>
      %dma_start3A_557 = arith.constant 0 : i32
      %dma_start3A_558 = tpu.memref_slice %arg2[%arg0, %mul3A_0, %dma_start3A_557] : memref<2x10008x64xf32, #tpu.memory_space<hbm>> -> memref<1x624x64xf32, #tpu.memory_space<hbm>>
      %dma_start3A_559 = tpu.memref_squeeze %dma_start3A_558 : memref<1x624x64xf32, #tpu.memory_space<hbm>> -> memref<624x64xf32, #tpu.memory_space<hbm>>
      tpu.enqueue_dma source(%dma_start3A_559 : memref<624x64xf32, #tpu.memory_space<hbm>>) target(%dma_start3A_556 : memref<624x64xf32, #tpu.memory_space<vmem_shared>>) target_semaphore(%run_scoped3A : memref<!tpu.dma_semaphore, #tpu.memory_space<semaphore_mem>>)
      %dma_wait3A_560 = arith.constant 0 : i32
      %dma_wait3A_561 = tpu.memref_slice %arg6[%mul3A_0, %dma_wait3A_560] : memref<10008x64xf32, #tpu.memory_space<vmem_shared>> -> memref<624x64xf32, #tpu.memory_space<vmem_shared>>
      %dma_wait3A_562 = arith.constant 0 : i32
      %dma_wait3A_563 = tpu.memref_slice %arg2[%arg0, %mul3A_0, %dma_wait3A_562] : memref<2x10008x64xf32, #tpu.memory_space<hbm>> -> memref<1x624x64xf32, #tpu.memory_space<hbm>>
      %dma_wait3A_564 = tpu.memref_squeeze %dma_wait3A_563 : memref<1x624x64xf32, #tpu.memory_space<hbm>> -> memref<624x64xf32, #tpu.memory_space<hbm>>
      tpu.wait_dma2 semaphore(%run_scoped3A : memref<!tpu.dma_semaphore, #tpu.memory_space<semaphore_mem>>) src(%dma_wait3A_564 : memref<624x64xf32, #tpu.memory_space<hbm>>) dst(%dma_wait3A_561 : memref<624x64xf32, #tpu.memory_space<vmem_shared>>)
      tpu.yield
    }) : () -> ()
    %eq3A = arith.constant 0 : i32
    %eq3A_1 = arith.cmpi eq, %arg1, %eq3A : i32
    %convert_element_type3A = arith.extui %eq3A_1 : i1 to i32
    %cond3A = arith.constant 0 : i32
    %cond3A_2 = arith.cmpi ne, %convert_element_type3A, %cond3A : i32
    scf.if %cond3A_2 {
      "tpu.region"() ({
        %run_scoped3A = tpu.sem_alloc : memref<!tpu.dma_semaphore, #tpu.memory_space<semaphore_mem>>
        %dma_start3A_555 = arith.constant 9984 : i32
        %dma_start3A_556 = arith.constant 0 : i32
        %dma_start3A_557 = tpu.memref_slice %arg7[%dma_start3A_555, %dma_start3A_556] : memref<10008x64xf32, #tpu.memory_space<vmem_shared>> -> memref<24x64xf32, #tpu.memory_space<vmem_shared>>
        %dma_start3A_558 = arith.constant 9984 : i32
        %dma_start3A_559 = arith.constant 0 : i32
        %dma_start3A_560 = tpu.memref_slice %arg4[%dma_start3A_558, %dma_start3A_559] : memref<10008x64xf32, #tpu.memory_space<hbm>> -> memref<24x64xf32, #tpu.memory_space<hbm>>
        tpu.enqueue_dma source(%dma_start3A_560 : memref<24x64xf32, #tpu.memory_space<hbm>>) target(%dma_start3A_557 : memref<24x64xf32, #tpu.memory_space<vmem_shared>>) target_semaphore(%run_scoped3A : memref<!tpu.dma_semaphore, #tpu.memory_space<semaphore_mem>>)
        %dma_wait3A_561 = arith.constant 9984 : i32
        %dma_wait3A_562 = arith.constant 0 : i32
        %dma_wait3A_563 = tpu.memref_slice %arg7[%dma_wait3A_561, %dma_wait3A_562] : memref<10008x64xf32, #tpu.memory_space<vmem_shared>> -> memref<24x64xf32, #tpu.memory_space<vmem_shared>>
        %dma_wait3A_564 = arith.constant 9984 : i32
        %dma_wait3A_565 = arith.constant 0 : i32
        %dma_wait3A_566 = tpu.memref_slice %arg4[%dma_wait3A_564, %dma_wait3A_565] : memref<10008x64xf32, #tpu.memory_space<hbm>> -> memref<24x64xf32, #tpu.memory_space<hbm>>
        tpu.wait_dma2 semaphore(%run_scoped3A : memref<!tpu.dma_semaphore, #tpu.memory_space<semaphore_mem>>) src(%dma_wait3A_566 : memref<24x64xf32, #tpu.memory_space<hbm>>) dst(%dma_wait3A_563 : memref<24x64xf32, #tpu.memory_space<vmem_shared>>)
        tpu.yield
      }) : () -> ()
      "tpu.region"() ({
        %run_scoped3A = tpu.sem_alloc : memref<!tpu.dma_semaphore, #tpu.memory_space<semaphore_mem>>
        %dma_start3A_555 = arith.constant 9984 : i32
        %dma_start3A_556 = arith.constant 0 : i32
        %dma_start3A_557 = tpu.memref_slice %arg6[%dma_start3A_555, %dma_start3A_556] : memref<10008x64xf32, #tpu.memory_space<vmem_shared>> -> memref<24x64xf32, #tpu.memory_space<vmem_shared>>
        %dma_start3A_558 = arith.constant 9984 : i32
        %dma_start3A_559 = arith.constant 0 : i32
        %dma_start3A_560 = tpu.memref_slice %arg2[%arg0, %dma_start3A_558, %dma_start3A_559] : memref<2x10008x64xf32, #tpu.memory_space<hbm>> -> memref<1x24x64xf32, #tpu.memory_space<hbm>>
        %dma_start3A_561 = tpu.memref_squeeze %dma_start3A_560 : memref<1x24x64xf32, #tpu.memory_space<hbm>> -> memref<24x64xf32, #tpu.memory_space<hbm>>
        tpu.enqueue_dma source(%dma_start3A_561 : memref<24x64xf32, #tpu.memory_space<hbm>>) target(%dma_start3A_557 : memref<24x64xf32, #tpu.memory_space<vmem_shared>>) target_semaphore(%run_scoped3A : memref<!tpu.dma_semaphore, #tpu.memory_space<semaphore_mem>>)
        %dma_wait3A_562 = arith.constant 9984 : i32
        %dma_wait3A_563 = arith.constant 0 : i32
        %dma_wait3A_564 = tpu.memref_slice %arg6[%dma_wait3A_562, %dma_wait3A_563] : memref<10008x64xf32, #tpu.memory_space<vmem_shared>> -> memref<24x64xf32, #tpu.memory_space<vmem_shared>>
        %dma_wait3A_565 = arith.constant 9984 : i32
        %dma_wait3A_566 = arith.constant 0 : i32
        %dma_wait3A_567 = tpu.memref_slice %arg2[%arg0, %dma_wait3A_565, %dma_wait3A_566] : memref<2x10008x64xf32, #tpu.memory_space<hbm>> -> memref<1x24x64xf32, #tpu.memory_space<hbm>>
        %dma_wait3A_568 = tpu.memref_squeeze %dma_wait3A_567 : memref<1x24x64xf32, #tpu.memory_space<hbm>> -> memref<24x64xf32, #tpu.memory_space<hbm>>
        tpu.wait_dma2 semaphore(%run_scoped3A : memref<!tpu.dma_semaphore, #tpu.memory_space<semaphore_mem>>) src(%dma_wait3A_568 : memref<24x64xf32, #tpu.memory_space<hbm>>) dst(%dma_wait3A_564 : memref<24x64xf32, #tpu.memory_space<vmem_shared>>)
        tpu.yield
      }) : () -> ()
    } else {
    }
    %barrier3A = arith.constant 0 : index
    tpu.barrier barrier_id(%barrier3A)
    %dma_start3A = arith.constant 0 : i32
    %dma_start3A_3 = arith.constant 0 : i32
    %dma_start3A_4 = arith.constant 0 : i32
    %dma_start3A_5 = arith.constant 0 : i32
    %dma_start3A_6 = tpu.memref_slice %arg8[%dma_start3A_3, %dma_start3A_5] : memref<2x128xi32, #tpu.memory_space<vmem>> -> memref<1x128xi32, #tpu.memory_space<vmem>>
    %dma_start3A_7 = tpu.memref_squeeze %dma_start3A_6 : memref<1x128xi32, #tpu.memory_space<vmem>> -> memref<128xi32, #tpu.memory_space<vmem>>
    %dma_start3A_8 = arith.constant 0 : i32
    %dma_start3A_9 = tpu.memref_slice %arg3[%arg1, %dma_start3A, %dma_start3A_8] : memref<16x158x128xi32, #tpu.memory_space<hbm>> -> memref<1x1x128xi32, #tpu.memory_space<hbm>>
    %dma_start3A_10 = tpu.memref_squeeze %dma_start3A_9 : memref<1x1x128xi32, #tpu.memory_space<hbm>> -> memref<128xi32, #tpu.memory_space<hbm>>
    %dma_start3A_11 = tpu.memref_slice %arg12[%dma_start3A_4] : memref<2x!tpu.dma_semaphore, #tpu.memory_space<semaphore_mem>> -> memref<1x!tpu.dma_semaphore, #tpu.memory_space<semaphore_mem>>
    %dma_start3A_12 = tpu.memref_squeeze %dma_start3A_11 : memref<1x!tpu.dma_semaphore, #tpu.memory_space<semaphore_mem>> -> memref<!tpu.dma_semaphore, #tpu.memory_space<semaphore_mem>>
    %dma_start3A_13 = arith.constant 0 : i32
    %dma_start3A_14 = tpu.memref_slice %arg8[%dma_start3A_3, %dma_start3A_13] : memref<2x128xi32, #tpu.memory_space<vmem>> -> memref<1x128xi32, #tpu.memory_space<vmem>>
    %dma_start3A_15 = tpu.memref_squeeze %dma_start3A_14 : memref<1x128xi32, #tpu.memory_space<vmem>> -> memref<128xi32, #tpu.memory_space<vmem>>
    %dma_start3A_16 = arith.constant 0 : i32
    %dma_start3A_17 = tpu.memref_slice %arg3[%arg1, %dma_start3A, %dma_start3A_16] : memref<16x158x128xi32, #tpu.memory_space<hbm>> -> memref<1x1x128xi32, #tpu.memory_space<hbm>>
    %dma_start3A_18 = tpu.memref_squeeze %dma_start3A_17 : memref<1x1x128xi32, #tpu.memory_space<hbm>> -> memref<128xi32, #tpu.memory_space<hbm>>
    tpu.enqueue_dma source(%dma_start3A_18 : memref<128xi32, #tpu.memory_space<hbm>>) target(%dma_start3A_15 : memref<128xi32, #tpu.memory_space<vmem>>) target_semaphore(%dma_start3A_12 : memref<!tpu.dma_semaphore, #tpu.memory_space<semaphore_mem>>)
    %dma_start3A_19 = arith.constant 1 : i32
    %dma_start3A_20 = arith.constant 1 : i32
    %dma_start3A_21 = arith.constant 1 : i32
    %dma_start3A_22 = arith.constant 0 : i32
    %dma_start3A_23 = tpu.memref_slice %arg8[%dma_start3A_20, %dma_start3A_22] : memref<2x128xi32, #tpu.memory_space<vmem>> -> memref<1x128xi32, #tpu.memory_space<vmem>>
    %dma_start3A_24 = tpu.memref_squeeze %dma_start3A_23 : memref<1x128xi32, #tpu.memory_space<vmem>> -> memref<128xi32, #tpu.memory_space<vmem>>
    %dma_start3A_25 = arith.constant 0 : i32
    %dma_start3A_26 = tpu.memref_slice %arg3[%arg1, %dma_start3A_19, %dma_start3A_25] : memref<16x158x128xi32, #tpu.memory_space<hbm>> -> memref<1x1x128xi32, #tpu.memory_space<hbm>>
    %dma_start3A_27 = tpu.memref_squeeze %dma_start3A_26 : memref<1x1x128xi32, #tpu.memory_space<hbm>> -> memref<128xi32, #tpu.memory_space<hbm>>
    %dma_start3A_28 = tpu.memref_slice %arg12[%dma_start3A_21] : memref<2x!tpu.dma_semaphore, #tpu.memory_space<semaphore_mem>> -> memref<1x!tpu.dma_semaphore, #tpu.memory_space<semaphore_mem>>
    %dma_start3A_29 = tpu.memref_squeeze %dma_start3A_28 : memref<1x!tpu.dma_semaphore, #tpu.memory_space<semaphore_mem>> -> memref<!tpu.dma_semaphore, #tpu.memory_space<semaphore_mem>>
    %dma_start3A_30 = arith.constant 0 : i32
    %dma_start3A_31 = tpu.memref_slice %arg8[%dma_start3A_20, %dma_start3A_30] : memref<2x128xi32, #tpu.memory_space<vmem>> -> memref<1x128xi32, #tpu.memory_space<vmem>>
    %dma_start3A_32 = tpu.memref_squeeze %dma_start3A_31 : memref<1x128xi32, #tpu.memory_space<vmem>> -> memref<128xi32, #tpu.memory_space<vmem>>
    %dma_start3A_33 = arith.constant 0 : i32
    %dma_start3A_34 = tpu.memref_slice %arg3[%arg1, %dma_start3A_19, %dma_start3A_33] : memref<16x158x128xi32, #tpu.memory_space<hbm>> -> memref<1x1x128xi32, #tpu.memory_space<hbm>>
    %dma_start3A_35 = tpu.memref_squeeze %dma_start3A_34 : memref<1x1x128xi32, #tpu.memory_space<hbm>> -> memref<128xi32, #tpu.memory_space<hbm>>
    tpu.enqueue_dma source(%dma_start3A_35 : memref<128xi32, #tpu.memory_space<hbm>>) target(%dma_start3A_32 : memref<128xi32, #tpu.memory_space<vmem>>) target_semaphore(%dma_start3A_29 : memref<!tpu.dma_semaphore, #tpu.memory_space<semaphore_mem>>)
    %dma_wait3A = arith.constant 0 : i32
    %dma_wait3A_36 = arith.constant 0 : i32
    %dma_wait3A_37 = arith.constant 0 : i32
    %dma_wait3A_38 = arith.constant 0 : i32
    %dma_wait3A_39 = tpu.memref_slice %arg8[%dma_wait3A_36, %dma_wait3A_38] : memref<2x128xi32, #tpu.memory_space<vmem>> -> memref<1x128xi32, #tpu.memory_space<vmem>>
    %dma_wait3A_40 = tpu.memref_squeeze %dma_wait3A_39 : memref<1x128xi32, #tpu.memory_space<vmem>> -> memref<128xi32, #tpu.memory_space<vmem>>
    %dma_wait3A_41 = arith.constant 0 : i32
    %dma_wait3A_42 = tpu.memref_slice %arg3[%arg1, %dma_wait3A, %dma_wait3A_41] : memref<16x158x128xi32, #tpu.memory_space<hbm>> -> memref<1x1x128xi32, #tpu.memory_space<hbm>>
    %dma_wait3A_43 = tpu.memref_squeeze %dma_wait3A_42 : memref<1x1x128xi32, #tpu.memory_space<hbm>> -> memref<128xi32, #tpu.memory_space<hbm>>
    %dma_wait3A_44 = tpu.memref_slice %arg12[%dma_wait3A_37] : memref<2x!tpu.dma_semaphore, #tpu.memory_space<semaphore_mem>> -> memref<1x!tpu.dma_semaphore, #tpu.memory_space<semaphore_mem>>
    %dma_wait3A_45 = tpu.memref_squeeze %dma_wait3A_44 : memref<1x!tpu.dma_semaphore, #tpu.memory_space<semaphore_mem>> -> memref<!tpu.dma_semaphore, #tpu.memory_space<semaphore_mem>>
    %dma_wait3A_46 = arith.constant 0 : i32
    %dma_wait3A_47 = tpu.memref_slice %arg8[%dma_wait3A_36, %dma_wait3A_46] : memref<2x128xi32, #tpu.memory_space<vmem>> -> memref<1x128xi32, #tpu.memory_space<vmem>>
    %dma_wait3A_48 = tpu.memref_squeeze %dma_wait3A_47 : memref<1x128xi32, #tpu.memory_space<vmem>> -> memref<128xi32, #tpu.memory_space<vmem>>
    %dma_wait3A_49 = arith.constant 0 : i32
    %dma_wait3A_50 = tpu.memref_slice %arg3[%arg1, %dma_wait3A, %dma_wait3A_49] : memref<16x158x128xi32, #tpu.memory_space<hbm>> -> memref<1x1x128xi32, #tpu.memory_space<hbm>>
    %dma_wait3A_51 = tpu.memref_squeeze %dma_wait3A_50 : memref<1x1x128xi32, #tpu.memory_space<hbm>> -> memref<128xi32, #tpu.memory_space<hbm>>
    tpu.wait_dma2 semaphore(%dma_wait3A_45 : memref<!tpu.dma_semaphore, #tpu.memory_space<semaphore_mem>>) src(%dma_wait3A_51 : memref<128xi32, #tpu.memory_space<hbm>>) dst(%dma_wait3A_48 : memref<128xi32, #tpu.memory_space<vmem>>)
    %get3A = arith.constant 0 : i32
    %get3A_52 = arith.constant 0 : i32
    %get3A_53 = tpu.memref_slice %arg8[%get3A, %get3A_52] : memref<2x128xi32, #tpu.memory_space<vmem>> -> memref<1x128xi32, #tpu.memory_space<vmem>>
    %get3A_54 = tpu.memref_squeeze %get3A_53 : memref<1x128xi32, #tpu.memory_space<vmem>> -> memref<128xi32, #tpu.memory_space<vmem>>
    %get3A_55 = arith.constant 0 : index
    %get3A_56 = tpu.vector_load %get3A_54[%get3A_55] {strides = array<i32>} : memref<128xi32, #tpu.memory_space<vmem>>, vector<16xi32>,
    %get3A_57 = vector.shape_cast %get3A_56 : vector<16xi32> to vector<16xi32>
    %and3A = arith.constant 65535 : i32
    %and3A_58 = vector.broadcast %and3A : i32 to vector<16xi32>
    %and3A_59 = arith.andi %get3A_57, %and3A_58 : vector<16xi32>
    %swap3A = arith.constant 0 : i32
    %swap3A_60 = arith.constant 0 : i32
    %swap3A_61 = tpu.memref_slice %arg9[%swap3A, %swap3A_60] : memref<2x128xi32, #tpu.memory_space<vmem>> -> memref<1x128xi32, #tpu.memory_space<vmem>>
    %swap3A_62 = tpu.memref_squeeze %swap3A_61 : memref<1x128xi32, #tpu.memory_space<vmem>> -> memref<128xi32, #tpu.memory_space<vmem>>
    %swap3A_63 = arith.constant 0 : index
    %swap3A_64 = tpu.vector_load %swap3A_62[%swap3A_63] {strides = array<i32>} : memref<128xi32, #tpu.memory_space<vmem>>, vector<16xi32>,
    %swap3A_65 = vector.shape_cast %swap3A_64 : vector<16xi32> to vector<16xi32>
    %swap3A_66 = vector.shape_cast %and3A_59 : vector<16xi32> to vector<16xi32>
    tpu.vector_store %swap3A_62[%swap3A_63], %swap3A_66 {strides = array<i32>} : memref<128xi32, #tpu.memory_space<vmem>>, vector<16xi32>,
    %get3A_67 = arith.constant 0 : i32
    %get3A_68 = arith.constant 0 : i32
    %get3A_69 = tpu.memref_slice %arg8[%get3A_67, %get3A_68] : memref<2x128xi32, #tpu.memory_space<vmem>> -> memref<1x128xi32, #tpu.memory_space<vmem>>
    %get3A_70 = tpu.memref_squeeze %get3A_69 : memref<1x128xi32, #tpu.memory_space<vmem>> -> memref<128xi32, #tpu.memory_space<vmem>>
    %get3A_71 = arith.constant 16 : index
    %get3A_72 = tpu.vector_load %get3A_70[%get3A_71] {strides = array<i32>} : memref<128xi32, #tpu.memory_space<vmem>>, vector<16xi32>,
    %get3A_73 = vector.shape_cast %get3A_72 : vector<16xi32> to vector<16xi32>
    %and3A_74 = arith.constant 65535 : i32
    %and3A_75 = vector.broadcast %and3A_74 : i32 to vector<16xi32>
    %and3A_76 = arith.andi %get3A_73, %and3A_75 : vector<16xi32>
    %swap3A_77 = arith.constant 0 : i32
    %swap3A_78 = arith.constant 0 : i32
    %swap3A_79 = tpu.memref_slice %arg9[%swap3A_77, %swap3A_78] : memref<2x128xi32, #tpu.memory_space<vmem>> -> memref<1x128xi32, #tpu.memory_space<vmem>>
    %swap3A_80 = tpu.memref_squeeze %swap3A_79 : memref<1x128xi32, #tpu.memory_space<vmem>> -> memref<128xi32, #tpu.memory_space<vmem>>
    %swap3A_81 = arith.constant 16 : index
    %swap3A_82 = tpu.vector_load %swap3A_80[%swap3A_81] {strides = array<i32>} : memref<128xi32, #tpu.memory_space<vmem>>, vector<16xi32>,
    %swap3A_83 = vector.shape_cast %swap3A_82 : vector<16xi32> to vector<16xi32>
    %swap3A_84 = vector.shape_cast %and3A_76 : vector<16xi32> to vector<16xi32>
    tpu.vector_store %swap3A_80[%swap3A_81], %swap3A_84 {strides = array<i32>} : memref<128xi32, #tpu.memory_space<vmem>>, vector<16xi32>,
    %get3A_85 = arith.constant 0 : i32
    %get3A_86 = arith.constant 0 : i32
    %get3A_87 = tpu.memref_slice %arg8[%get3A_85, %get3A_86] : memref<2x128xi32, #tpu.memory_space<vmem>> -> memref<1x128xi32, #tpu.memory_space<vmem>>
    %get3A_88 = tpu.memref_squeeze %get3A_87 : memref<1x128xi32, #tpu.memory_space<vmem>> -> memref<128xi32, #tpu.memory_space<vmem>>
    %get3A_89 = arith.constant 32 : index
    %get3A_90 = tpu.vector_load %get3A_88[%get3A_89] {strides = array<i32>} : memref<128xi32, #tpu.memory_space<vmem>>, vector<16xi32>,
    %get3A_91 = vector.shape_cast %get3A_90 : vector<16xi32> to vector<16xi32>
    %and3A_92 = arith.constant 65535 : i32
    %and3A_93 = vector.broadcast %and3A_92 : i32 to vector<16xi32>
    %and3A_94 = arith.andi %get3A_91, %and3A_93 : vector<16xi32>
    %swap3A_95 = arith.constant 0 : i32
    %swap3A_96 = arith.constant 0 : i32
    %swap3A_97 = tpu.memref_slice %arg9[%swap3A_95, %swap3A_96] : memref<2x128xi32, #tpu.memory_space<vmem>> -> memref<1x128xi32, #tpu.memory_space<vmem>>
    %swap3A_98 = tpu.memref_squeeze %swap3A_97 : memref<1x128xi32, #tpu.memory_space<vmem>> -> memref<128xi32, #tpu.memory_space<vmem>>
    %swap3A_99 = arith.constant 32 : index
    %swap3A_100 = tpu.vector_load %swap3A_98[%swap3A_99] {strides = array<i32>} : memref<128xi32, #tpu.memory_space<vmem>>, vector<16xi32>,
    %swap3A_101 = vector.shape_cast %swap3A_100 : vector<16xi32> to vector<16xi32>
    %swap3A_102 = vector.shape_cast %and3A_94 : vector<16xi32> to vector<16xi32>
    tpu.vector_store %swap3A_98[%swap3A_99], %swap3A_102 {strides = array<i32>} : memref<128xi32, #tpu.memory_space<vmem>>, vector<16xi32>,
    %get3A_103 = arith.constant 0 : i32
    %get3A_104 = arith.constant 0 : i32
    %get3A_105 = tpu.memref_slice %arg8[%get3A_103, %get3A_104] : memref<2x128xi32, #tpu.memory_space<vmem>> -> memref<1x128xi32, #tpu.memory_space<vmem>>
    %get3A_106 = tpu.memref_squeeze %get3A_105 : memref<1x128xi32, #tpu.memory_space<vmem>> -> memref<128xi32, #tpu.memory_space<vmem>>
    %get3A_107 = arith.constant 48 : index
    %get3A_108 = tpu.vector_load %get3A_106[%get3A_107] {strides = array<i32>} : memref<128xi32, #tpu.memory_space<vmem>>, vector<16xi32>,
    %get3A_109 = vector.shape_cast %get3A_108 : vector<16xi32> to vector<16xi32>
    %and3A_110 = arith.constant 65535 : i32
    %and3A_111 = vector.broadcast %and3A_110 : i32 to vector<16xi32>
    %and3A_112 = arith.andi %get3A_109, %and3A_111 : vector<16xi32>
    %swap3A_113 = arith.constant 0 : i32
    %swap3A_114 = arith.constant 0 : i32
    %swap3A_115 = tpu.memref_slice %arg9[%swap3A_113, %swap3A_114] : memref<2x128xi32, #tpu.memory_space<vmem>> -> memref<1x128xi32, #tpu.memory_space<vmem>>
    %swap3A_116 = tpu.memref_squeeze %swap3A_115 : memref<1x128xi32, #tpu.memory_space<vmem>> -> memref<128xi32, #tpu.memory_space<vmem>>
    %swap3A_117 = arith.constant 48 : index
    %swap3A_118 = tpu.vector_load %swap3A_116[%swap3A_117] {strides = array<i32>} : memref<128xi32, #tpu.memory_space<vmem>>, vector<16xi32>,
    %swap3A_119 = vector.shape_cast %swap3A_118 : vector<16xi32> to vector<16xi32>
    %swap3A_120 = vector.shape_cast %and3A_112 : vector<16xi32> to vector<16xi32>
    tpu.vector_store %swap3A_116[%swap3A_117], %swap3A_120 {strides = array<i32>} : memref<128xi32, #tpu.memory_space<vmem>>, vector<16xi32>,
    %get3A_121 = arith.constant 0 : i32
    %get3A_122 = arith.constant 0 : i32
    %get3A_123 = tpu.memref_slice %arg8[%get3A_121, %get3A_122] : memref<2x128xi32, #tpu.memory_space<vmem>> -> memref<1x128xi32, #tpu.memory_space<vmem>>
    %get3A_124 = tpu.memref_squeeze %get3A_123 : memref<1x128xi32, #tpu.memory_space<vmem>> -> memref<128xi32, #tpu.memory_space<vmem>>
    %get3A_125 = arith.constant 64 : index
    %get3A_126 = tpu.vector_load %get3A_124[%get3A_125] {strides = array<i32>} : memref<128xi32, #tpu.memory_space<vmem>>, vector<16xi32>,
    %get3A_127 = vector.shape_cast %get3A_126 : vector<16xi32> to vector<16xi32>
    %and3A_128 = arith.constant 65535 : i32
    %and3A_129 = vector.broadcast %and3A_128 : i32 to vector<16xi32>
    %and3A_130 = arith.andi %get3A_127, %and3A_129 : vector<16xi32>
    %swap3A_131 = arith.constant 0 : i32
    %swap3A_132 = arith.constant 0 : i32
    %swap3A_133 = tpu.memref_slice %arg9[%swap3A_131, %swap3A_132] : memref<2x128xi32, #tpu.memory_space<vmem>> -> memref<1x128xi32, #tpu.memory_space<vmem>>
    %swap3A_134 = tpu.memref_squeeze %swap3A_133 : memref<1x128xi32, #tpu.memory_space<vmem>> -> memref<128xi32, #tpu.memory_space<vmem>>
    %swap3A_135 = arith.constant 64 : index
    %swap3A_136 = tpu.vector_load %swap3A_134[%swap3A_135] {strides = array<i32>} : memref<128xi32, #tpu.memory_space<vmem>>, vector<16xi32>,
    %swap3A_137 = vector.shape_cast %swap3A_136 : vector<16xi32> to vector<16xi32>
    %swap3A_138 = vector.shape_cast %and3A_130 : vector<16xi32> to vector<16xi32>
    tpu.vector_store %swap3A_134[%swap3A_135], %swap3A_138 {strides = array<i32>} : memref<128xi32, #tpu.memory_space<vmem>>, vector<16xi32>,
    %get3A_139 = arith.constant 0 : i32
    %get3A_140 = arith.constant 0 : i32
    %get3A_141 = tpu.memref_slice %arg8[%get3A_139, %get3A_140] : memref<2x128xi32, #tpu.memory_space<vmem>> -> memref<1x128xi32, #tpu.memory_space<vmem>>
    %get3A_142 = tpu.memref_squeeze %get3A_141 : memref<1x128xi32, #tpu.memory_space<vmem>> -> memref<128xi32, #tpu.memory_space<vmem>>
    %get3A_143 = arith.constant 80 : index
    %get3A_144 = tpu.vector_load %get3A_142[%get3A_143] {strides = array<i32>} : memref<128xi32, #tpu.memory_space<vmem>>, vector<16xi32>,
    %get3A_145 = vector.shape_cast %get3A_144 : vector<16xi32> to vector<16xi32>
    %and3A_146 = arith.constant 65535 : i32
    %and3A_147 = vector.broadcast %and3A_146 : i32 to vector<16xi32>
    %and3A_148 = arith.andi %get3A_145, %and3A_147 : vector<16xi32>
    %swap3A_149 = arith.constant 0 : i32
    %swap3A_150 = arith.constant 0 : i32
    %swap3A_151 = tpu.memref_slice %arg9[%swap3A_149, %swap3A_150] : memref<2x128xi32, #tpu.memory_space<vmem>> -> memref<1x128xi32, #tpu.memory_space<vmem>>
    %swap3A_152 = tpu.memref_squeeze %swap3A_151 : memref<1x128xi32, #tpu.memory_space<vmem>> -> memref<128xi32, #tpu.memory_space<vmem>>
    %swap3A_153 = arith.constant 80 : index
    %swap3A_154 = tpu.vector_load %swap3A_152[%swap3A_153] {strides = array<i32>} : memref<128xi32, #tpu.memory_space<vmem>>, vector<16xi32>,
    %swap3A_155 = vector.shape_cast %swap3A_154 : vector<16xi32> to vector<16xi32>
    %swap3A_156 = vector.shape_cast %and3A_148 : vector<16xi32> to vector<16xi32>
    tpu.vector_store %swap3A_152[%swap3A_153], %swap3A_156 {strides = array<i32>} : memref<128xi32, #tpu.memory_space<vmem>>, vector<16xi32>,
    %get3A_157 = arith.constant 0 : i32
    %get3A_158 = arith.constant 0 : i32
    %get3A_159 = tpu.memref_slice %arg8[%get3A_157, %get3A_158] : memref<2x128xi32, #tpu.memory_space<vmem>> -> memref<1x128xi32, #tpu.memory_space<vmem>>
    %get3A_160 = tpu.memref_squeeze %get3A_159 : memref<1x128xi32, #tpu.memory_space<vmem>> -> memref<128xi32, #tpu.memory_space<vmem>>
    %get3A_161 = arith.constant 96 : index
    %get3A_162 = tpu.vector_load %get3A_160[%get3A_161] {strides = array<i32>} : memref<128xi32, #tpu.memory_space<vmem>>, vector<16xi32>,
    %get3A_163 = vector.shape_cast %get3A_162 : vector<16xi32> to vector<16xi32>
    %and3A_164 = arith.constant 65535 : i32
    %and3A_165 = vector.broadcast %and3A_164 : i32 to vector<16xi32>
    %and3A_166 = arith.andi %get3A_163, %and3A_165 : vector<16xi32>
    %swap3A_167 = arith.constant 0 : i32
    %swap3A_168 = arith.constant 0 : i32
    %swap3A_169 = tpu.memref_slice %arg9[%swap3A_167, %swap3A_168] : memref<2x128xi32, #tpu.memory_space<vmem>> -> memref<1x128xi32, #tpu.memory_space<vmem>>
    %swap3A_170 = tpu.memref_squeeze %swap3A_169 : memref<1x128xi32, #tpu.memory_space<vmem>> -> memref<128xi32, #tpu.memory_space<vmem>>
    %swap3A_171 = arith.constant 96 : index
    %swap3A_172 = tpu.vector_load %swap3A_170[%swap3A_171] {strides = array<i32>} : memref<128xi32, #tpu.memory_space<vmem>>, vector<16xi32>,
    %swap3A_173 = vector.shape_cast %swap3A_172 : vector<16xi32> to vector<16xi32>
    %swap3A_174 = vector.shape_cast %and3A_166 : vector<16xi32> to vector<16xi32>
    tpu.vector_store %swap3A_170[%swap3A_171], %swap3A_174 {strides = array<i32>} : memref<128xi32, #tpu.memory_space<vmem>>, vector<16xi32>,
    %get3A_175 = arith.constant 0 : i32
    %get3A_176 = arith.constant 0 : i32
    %get3A_177 = tpu.memref_slice %arg8[%get3A_175, %get3A_176] : memref<2x128xi32, #tpu.memory_space<vmem>> -> memref<1x128xi32, #tpu.memory_space<vmem>>
    %get3A_178 = tpu.memref_squeeze %get3A_177 : memref<1x128xi32, #tpu.memory_space<vmem>> -> memref<128xi32, #tpu.memory_space<vmem>>
    %get3A_179 = arith.constant 112 : index
    %get3A_180 = tpu.vector_load %get3A_178[%get3A_179] {strides = array<i32>} : memref<128xi32, #tpu.memory_space<vmem>>, vector<16xi32>,
    %get3A_181 = vector.shape_cast %get3A_180 : vector<16xi32> to vector<16xi32>
    %and3A_182 = arith.constant 65535 : i32
    %and3A_183 = vector.broadcast %and3A_182 : i32 to vector<16xi32>
    %and3A_184 = arith.andi %get3A_181, %and3A_183 : vector<16xi32>
    %swap3A_185 = arith.constant 0 : i32
    %swap3A_186 = arith.constant 0 : i32
    %swap3A_187 = tpu.memref_slice %arg9[%swap3A_185, %swap3A_186] : memref<2x128xi32, #tpu.memory_space<vmem>> -> memref<1x128xi32, #tpu.memory_space<vmem>>
    %swap3A_188 = tpu.memref_squeeze %swap3A_187 : memref<1x128xi32, #tpu.memory_space<vmem>> -> memref<128xi32, #tpu.memory_space<vmem>>
    %swap3A_189 = arith.constant 112 : index
    %swap3A_190 = tpu.vector_load %swap3A_188[%swap3A_189] {strides = array<i32>} : memref<128xi32, #tpu.memory_space<vmem>>, vector<16xi32>,
    %swap3A_191 = vector.shape_cast %swap3A_190 : vector<16xi32> to vector<16xi32>
    %swap3A_192 = vector.shape_cast %and3A_184 : vector<16xi32> to vector<16xi32>
    tpu.vector_store %swap3A_188[%swap3A_189], %swap3A_192 {strides = array<i32>} : memref<128xi32, #tpu.memory_space<vmem>>, vector<16xi32>,
    %get3A_193 = arith.constant 0 : i32
    %get3A_194 = arith.constant 0 : i32
    %get3A_195 = tpu.memref_slice %arg8[%get3A_193, %get3A_194] : memref<2x128xi32, #tpu.memory_space<vmem>> -> memref<1x128xi32, #tpu.memory_space<vmem>>
    %get3A_196 = tpu.memref_squeeze %get3A_195 : memref<1x128xi32, #tpu.memory_space<vmem>> -> memref<128xi32, #tpu.memory_space<vmem>>
    %get3A_197 = arith.constant 0 : index
    %get3A_198 = tpu.vector_load %get3A_196[%get3A_197] {strides = array<i32>} : memref<128xi32, #tpu.memory_space<vmem>>, vector<16xi32>,
    %get3A_199 = vector.shape_cast %get3A_198 : vector<16xi32> to vector<16xi32>
    %shift_right_arithmetic3A = arith.constant 16 : i32
    %shift_right_arithmetic3A_200 = vector.broadcast %shift_right_arithmetic3A : i32 to vector<16xi32>
    %shift_right_arithmetic3A_201 = arith.shrsi %get3A_199, %shift_right_arithmetic3A_200 : vector<16xi32>
    %swap3A_202 = arith.constant 0 : i32
    %swap3A_203 = arith.constant 0 : i32
    %swap3A_204 = tpu.memref_slice %arg10[%swap3A_202, %swap3A_203] : memref<2x128xi32, #tpu.memory_space<vmem>> -> memref<1x128xi32, #tpu.memory_space<vmem>>
    %swap3A_205 = tpu.memref_squeeze %swap3A_204 : memref<1x128xi32, #tpu.memory_space<vmem>> -> memref<128xi32, #tpu.memory_space<vmem>>
    %swap3A_206 = arith.constant 0 : index
    %swap3A_207 = tpu.vector_load %swap3A_205[%swap3A_206] {strides = array<i32>} : memref<128xi32, #tpu.memory_space<vmem>>, vector<16xi32>,
    %swap3A_208 = vector.shape_cast %swap3A_207 : vector<16xi32> to vector<16xi32>
    %swap3A_209 = vector.shape_cast %shift_right_arithmetic3A_201 : vector<16xi32> to vector<16xi32>
    tpu.vector_store %swap3A_205[%swap3A_206], %swap3A_209 {strides = array<i32>} : memref<128xi32, #tpu.memory_space<vmem>>, vector<16xi32>,
    %get3A_210 = arith.constant 0 : i32
    %get3A_211 = arith.constant 0 : i32
    %get3A_212 = tpu.memref_slice %arg8[%get3A_210, %get3A_211] : memref<2x128xi32, #tpu.memory_space<vmem>> -> memref<1x128xi32, #tpu.memory_space<vmem>>
    %get3A_213 = tpu.memref_squeeze %get3A_212 : memref<1x128xi32, #tpu.memory_space<vmem>> -> memref<128xi32, #tpu.memory_space<vmem>>
    %get3A_214 = arith.constant 16 : index
    %get3A_215 = tpu.vector_load %get3A_213[%get3A_214] {strides = array<i32>} : memref<128xi32, #tpu.memory_space<vmem>>, vector<16xi32>,
    %get3A_216 = vector.shape_cast %get3A_215 : vector<16xi32> to vector<16xi32>
    %shift_right_arithmetic3A_217 = arith.constant 16 : i32
    %shift_right_arithmetic3A_218 = vector.broadcast %shift_right_arithmetic3A_217 : i32 to vector<16xi32>
    %shift_right_arithmetic3A_219 = arith.shrsi %get3A_216, %shift_right_arithmetic3A_218 : vector<16xi32>
    %swap3A_220 = arith.constant 0 : i32
    %swap3A_221 = arith.constant 0 : i32
    %swap3A_222 = tpu.memref_slice %arg10[%swap3A_220, %swap3A_221] : memref<2x128xi32, #tpu.memory_space<vmem>> -> memref<1x128xi32, #tpu.memory_space<vmem>>
    %swap3A_223 = tpu.memref_squeeze %swap3A_222 : memref<1x128xi32, #tpu.memory_space<vmem>> -> memref<128xi32, #tpu.memory_space<vmem>>
    %swap3A_224 = arith.constant 16 : index
    %swap3A_225 = tpu.vector_load %swap3A_223[%swap3A_224] {strides = array<i32>} : memref<128xi32, #tpu.memory_space<vmem>>, vector<16xi32>,
    %swap3A_226 = vector.shape_cast %swap3A_225 : vector<16xi32> to vector<16xi32>
    %swap3A_227 = vector.shape_cast %shift_right_arithmetic3A_219 : vector<16xi32> to vector<16xi32>
    tpu.vector_store %swap3A_223[%swap3A_224], %swap3A_227 {strides = array<i32>} : memref<128xi32, #tpu.memory_space<vmem>>, vector<16xi32>,
    %get3A_228 = arith.constant 0 : i32
    %get3A_229 = arith.constant 0 : i32
    %get3A_230 = tpu.memref_slice %arg8[%get3A_228, %get3A_229] : memref<2x128xi32, #tpu.memory_space<vmem>> -> memref<1x128xi32, #tpu.memory_space<vmem>>
    %get3A_231 = tpu.memref_squeeze %get3A_230 : memref<1x128xi32, #tpu.memory_space<vmem>> -> memref<128xi32, #tpu.memory_space<vmem>>
    %get3A_232 = arith.constant 32 : index
    %get3A_233 = tpu.vector_load %get3A_231[%get3A_232] {strides = array<i32>} : memref<128xi32, #tpu.memory_space<vmem>>, vector<16xi32>,
    %get3A_234 = vector.shape_cast %get3A_233 : vector<16xi32> to vector<16xi32>
    %shift_right_arithmetic3A_235 = arith.constant 16 : i32
    %shift_right_arithmetic3A_236 = vector.broadcast %shift_right_arithmetic3A_235 : i32 to vector<16xi32>
    %shift_right_arithmetic3A_237 = arith.shrsi %get3A_234, %shift_right_arithmetic3A_236 : vector<16xi32>
    %swap3A_238 = arith.constant 0 : i32
    %swap3A_239 = arith.constant 0 : i32
    %swap3A_240 = tpu.memref_slice %arg10[%swap3A_238, %swap3A_239] : memref<2x128xi32, #tpu.memory_space<vmem>> -> memref<1x128xi32, #tpu.memory_space<vmem>>
    %swap3A_241 = tpu.memref_squeeze %swap3A_240 : memref<1x128xi32, #tpu.memory_space<vmem>> -> memref<128xi32, #tpu.memory_space<vmem>>
    %swap3A_242 = arith.constant 32 : index
    %swap3A_243 = tpu.vector_load %swap3A_241[%swap3A_242] {strides = array<i32>} : memref<128xi32, #tpu.memory_space<vmem>>, vector<16xi32>,
    %swap3A_244 = vector.shape_cast %swap3A_243 : vector<16xi32> to vector<16xi32>
    %swap3A_245 = vector.shape_cast %shift_right_arithmetic3A_237 : vector<16xi32> to vector<16xi32>
    tpu.vector_store %swap3A_241[%swap3A_242], %swap3A_245 {strides = array<i32>} : memref<128xi32, #tpu.memory_space<vmem>>, vector<16xi32>,
    %get3A_246 = arith.constant 0 : i32
    %get3A_247 = arith.constant 0 : i32
    %get3A_248 = tpu.memref_slice %arg8[%get3A_246, %get3A_247] : memref<2x128xi32, #tpu.memory_space<vmem>> -> memref<1x128xi32, #tpu.memory_space<vmem>>
    %get3A_249 = tpu.memref_squeeze %get3A_248 : memref<1x128xi32, #tpu.memory_space<vmem>> -> memref<128xi32, #tpu.memory_space<vmem>>
    %get3A_250 = arith.constant 48 : index
    %get3A_251 = tpu.vector_load %get3A_249[%get3A_250] {strides = array<i32>} : memref<128xi32, #tpu.memory_space<vmem>>, vector<16xi32>,
    %get3A_252 = vector.shape_cast %get3A_251 : vector<16xi32> to vector<16xi32>
    %shift_right_arithmetic3A_253 = arith.constant 16 : i32
    %shift_right_arithmetic3A_254 = vector.broadcast %shift_right_arithmetic3A_253 : i32 to vector<16xi32>
    %shift_right_arithmetic3A_255 = arith.shrsi %get3A_252, %shift_right_arithmetic3A_254 : vector<16xi32>
    %swap3A_256 = arith.constant 0 : i32
    %swap3A_257 = arith.constant 0 : i32
    %swap3A_258 = tpu.memref_slice %arg10[%swap3A_256, %swap3A_257] : memref<2x128xi32, #tpu.memory_space<vmem>> -> memref<1x128xi32, #tpu.memory_space<vmem>>
    %swap3A_259 = tpu.memref_squeeze %swap3A_258 : memref<1x128xi32, #tpu.memory_space<vmem>> -> memref<128xi32, #tpu.memory_space<vmem>>
    %swap3A_260 = arith.constant 48 : index
    %swap3A_261 = tpu.vector_load %swap3A_259[%swap3A_260] {strides = array<i32>} : memref<128xi32, #tpu.memory_space<vmem>>, vector<16xi32>,
    %swap3A_262 = vector.shape_cast %swap3A_261 : vector<16xi32> to vector<16xi32>
    %swap3A_263 = vector.shape_cast %shift_right_arithmetic3A_255 : vector<16xi32> to vector<16xi32>
    tpu.vector_store %swap3A_259[%swap3A_260], %swap3A_263 {strides = array<i32>} : memref<128xi32, #tpu.memory_space<vmem>>, vector<16xi32>,
    %get3A_264 = arith.constant 0 : i32
    %get3A_265 = arith.constant 0 : i32
    %get3A_266 = tpu.memref_slice %arg8[%get3A_264, %get3A_265] : memref<2x128xi32, #tpu.memory_space<vmem>> -> memref<1x128xi32, #tpu.memory_space<vmem>>
    %get3A_267 = tpu.memref_squeeze %get3A_266 : memref<1x128xi32, #tpu.memory_space<vmem>> -> memref<128xi32, #tpu.memory_space<vmem>>
    %get3A_268 = arith.constant 64 : index
    %get3A_269 = tpu.vector_load %get3A_267[%get3A_268] {strides = array<i32>} : memref<128xi32, #tpu.memory_space<vmem>>, vector<16xi32>,
    %get3A_270 = vector.shape_cast %get3A_269 : vector<16xi32> to vector<16xi32>
    %shift_right_arithmetic3A_271 = arith.constant 16 : i32
    %shift_right_arithmetic3A_272 = vector.broadcast %shift_right_arithmetic3A_271 : i32 to vector<16xi32>
    %shift_right_arithmetic3A_273 = arith.shrsi %get3A_270, %shift_right_arithmetic3A_272 : vector<16xi32>
    %swap3A_274 = arith.constant 0 : i32
    %swap3A_275 = arith.constant 0 : i32
    %swap3A_276 = tpu.memref_slice %arg10[%swap3A_274, %swap3A_275] : memref<2x128xi32, #tpu.memory_space<vmem>> -> memref<1x128xi32, #tpu.memory_space<vmem>>
    %swap3A_277 = tpu.memref_squeeze %swap3A_276 : memref<1x128xi32, #tpu.memory_space<vmem>> -> memref<128xi32, #tpu.memory_space<vmem>>
    %swap3A_278 = arith.constant 64 : index
    %swap3A_279 = tpu.vector_load %swap3A_277[%swap3A_278] {strides = array<i32>} : memref<128xi32, #tpu.memory_space<vmem>>, vector<16xi32>,
    %swap3A_280 = vector.shape_cast %swap3A_279 : vector<16xi32> to vector<16xi32>
    %swap3A_281 = vector.shape_cast %shift_right_arithmetic3A_273 : vector<16xi32> to vector<16xi32>
    tpu.vector_store %swap3A_277[%swap3A_278], %swap3A_281 {strides = array<i32>} : memref<128xi32, #tpu.memory_space<vmem>>, vector<16xi32>,
    %get3A_282 = arith.constant 0 : i32
    %get3A_283 = arith.constant 0 : i32
    %get3A_284 = tpu.memref_slice %arg8[%get3A_282, %get3A_283] : memref<2x128xi32, #tpu.memory_space<vmem>> -> memref<1x128xi32, #tpu.memory_space<vmem>>
    %get3A_285 = tpu.memref_squeeze %get3A_284 : memref<1x128xi32, #tpu.memory_space<vmem>> -> memref<128xi32, #tpu.memory_space<vmem>>
    %get3A_286 = arith.constant 80 : index
    %get3A_287 = tpu.vector_load %get3A_285[%get3A_286] {strides = array<i32>} : memref<128xi32, #tpu.memory_space<vmem>>, vector<16xi32>,
    %get3A_288 = vector.shape_cast %get3A_287 : vector<16xi32> to vector<16xi32>
    %shift_right_arithmetic3A_289 = arith.constant 16 : i32
    %shift_right_arithmetic3A_290 = vector.broadcast %shift_right_arithmetic3A_289 : i32 to vector<16xi32>
    %shift_right_arithmetic3A_291 = arith.shrsi %get3A_288, %shift_right_arithmetic3A_290 : vector<16xi32>
    %swap3A_292 = arith.constant 0 : i32
    %swap3A_293 = arith.constant 0 : i32
    %swap3A_294 = tpu.memref_slice %arg10[%swap3A_292, %swap3A_293] : memref<2x128xi32, #tpu.memory_space<vmem>> -> memref<1x128xi32, #tpu.memory_space<vmem>>
    %swap3A_295 = tpu.memref_squeeze %swap3A_294 : memref<1x128xi32, #tpu.memory_space<vmem>> -> memref<128xi32, #tpu.memory_space<vmem>>
    %swap3A_296 = arith.constant 80 : index
    %swap3A_297 = tpu.vector_load %swap3A_295[%swap3A_296] {strides = array<i32>} : memref<128xi32, #tpu.memory_space<vmem>>, vector<16xi32>,
    %swap3A_298 = vector.shape_cast %swap3A_297 : vector<16xi32> to vector<16xi32>
    %swap3A_299 = vector.shape_cast %shift_right_arithmetic3A_291 : vector<16xi32> to vector<16xi32>
    tpu.vector_store %swap3A_295[%swap3A_296], %swap3A_299 {strides = array<i32>} : memref<128xi32, #tpu.memory_space<vmem>>, vector<16xi32>,
    %get3A_300 = arith.constant 0 : i32
    %get3A_301 = arith.constant 0 : i32
    %get3A_302 = tpu.memref_slice %arg8[%get3A_300, %get3A_301] : memref<2x128xi32, #tpu.memory_space<vmem>> -> memref<1x128xi32, #tpu.memory_space<vmem>>
    %get3A_303 = tpu.memref_squeeze %get3A_302 : memref<1x128xi32, #tpu.memory_space<vmem>> -> memref<128xi32, #tpu.memory_space<vmem>>
    %get3A_304 = arith.constant 96 : index
    %get3A_305 = tpu.vector_load %get3A_303[%get3A_304] {strides = array<i32>} : memref<128xi32, #tpu.memory_space<vmem>>, vector<16xi32>,
    %get3A_306 = vector.shape_cast %get3A_305 : vector<16xi32> to vector<16xi32>
    %shift_right_arithmetic3A_307 = arith.constant 16 : i32
    %shift_right_arithmetic3A_308 = vector.broadcast %shift_right_arithmetic3A_307 : i32 to vector<16xi32>
    %shift_right_arithmetic3A_309 = arith.shrsi %get3A_306, %shift_right_arithmetic3A_308 : vector<16xi32>
    %swap3A_310 = arith.constant 0 : i32
    %swap3A_311 = arith.constant 0 : i32
    %swap3A_312 = tpu.memref_slice %arg10[%swap3A_310, %swap3A_311] : memref<2x128xi32, #tpu.memory_space<vmem>> -> memref<1x128xi32, #tpu.memory_space<vmem>>
    %swap3A_313 = tpu.memref_squeeze %swap3A_312 : memref<1x128xi32, #tpu.memory_space<vmem>> -> memref<128xi32, #tpu.memory_space<vmem>>
    %swap3A_314 = arith.constant 96 : index
    %swap3A_315 = tpu.vector_load %swap3A_313[%swap3A_314] {strides = array<i32>} : memref<128xi32, #tpu.memory_space<vmem>>, vector<16xi32>,
    %swap3A_316 = vector.shape_cast %swap3A_315 : vector<16xi32> to vector<16xi32>
    %swap3A_317 = vector.shape_cast %shift_right_arithmetic3A_309 : vector<16xi32> to vector<16xi32>
    tpu.vector_store %swap3A_313[%swap3A_314], %swap3A_317 {strides = array<i32>} : memref<128xi32, #tpu.memory_space<vmem>>, vector<16xi32>,
    %get3A_318 = arith.constant 0 : i32
    %get3A_319 = arith.constant 0 : i32
    %get3A_320 = tpu.memref_slice %arg8[%get3A_318, %get3A_319] : memref<2x128xi32, #tpu.memory_space<vmem>> -> memref<1x128xi32, #tpu.memory_space<vmem>>
    %get3A_321 = tpu.memref_squeeze %get3A_320 : memref<1x128xi32, #tpu.memory_space<vmem>> -> memref<128xi32, #tpu.memory_space<vmem>>
    %get3A_322 = arith.constant 112 : index
    %get3A_323 = tpu.vector_load %get3A_321[%get3A_322] {strides = array<i32>} : memref<128xi32, #tpu.memory_space<vmem>>, vector<16xi32>,
    %get3A_324 = vector.shape_cast %get3A_323 : vector<16xi32> to vector<16xi32>
    %shift_right_arithmetic3A_325 = arith.constant 16 : i32
    %shift_right_arithmetic3A_326 = vector.broadcast %shift_right_arithmetic3A_325 : i32 to vector<16xi32>
    %shift_right_arithmetic3A_327 = arith.shrsi %get3A_324, %shift_right_arithmetic3A_326 : vector<16xi32>
    %swap3A_328 = arith.constant 0 : i32
    %swap3A_329 = arith.constant 0 : i32
    %swap3A_330 = tpu.memref_slice %arg10[%swap3A_328, %swap3A_329] : memref<2x128xi32, #tpu.memory_space<vmem>> -> memref<1x128xi32, #tpu.memory_space<vmem>>
    %swap3A_331 = tpu.memref_squeeze %swap3A_330 : memref<1x128xi32, #tpu.memory_space<vmem>> -> memref<128xi32, #tpu.memory_space<vmem>>
    %swap3A_332 = arith.constant 112 : index
    %swap3A_333 = tpu.vector_load %swap3A_331[%swap3A_332] {strides = array<i32>} : memref<128xi32, #tpu.memory_space<vmem>>, vector<16xi32>,
    %swap3A_334 = vector.shape_cast %swap3A_333 : vector<16xi32> to vector<16xi32>
    %swap3A_335 = vector.shape_cast %shift_right_arithmetic3A_327 : vector<16xi32> to vector<16xi32>
    tpu.vector_store %swap3A_331[%swap3A_332], %swap3A_335 {strides = array<i32>} : memref<128xi32, #tpu.memory_space<vmem>>, vector<16xi32>,
    %dma_start3A_336 = arith.constant 2 : i32
    %dma_start3A_337 = arith.constant 0 : i32
    %dma_start3A_338 = arith.constant 0 : i32
    %dma_start3A_339 = arith.constant 0 : i32
    %dma_start3A_340 = tpu.memref_slice %arg8[%dma_start3A_337, %dma_start3A_339] : memref<2x128xi32, #tpu.memory_space<vmem>> -> memref<1x128xi32, #tpu.memory_space<vmem>>
    %dma_start3A_341 = tpu.memref_squeeze %dma_start3A_340 : memref<1x128xi32, #tpu.memory_space<vmem>> -> memref<128xi32, #tpu.memory_space<vmem>>
    %dma_start3A_342 = arith.constant 0 : i32
    %dma_start3A_343 = tpu.memref_slice %arg3[%arg1, %dma_start3A_336, %dma_start3A_342] : memref<16x158x128xi32, #tpu.memory_space<hbm>> -> memref<1x1x128xi32, #tpu.memory_space<hbm>>
    %dma_start3A_344 = tpu.memref_squeeze %dma_start3A_343 : memref<1x1x128xi32, #tpu.memory_space<hbm>> -> memref<128xi32, #tpu.memory_space<hbm>>
    %dma_start3A_345 = tpu.memref_slice %arg12[%dma_start3A_338] : memref<2x!tpu.dma_semaphore, #tpu.memory_space<semaphore_mem>> -> memref<1x!tpu.dma_semaphore, #tpu.memory_space<semaphore_mem>>
    %dma_start3A_346 = tpu.memref_squeeze %dma_start3A_345 : memref<1x!tpu.dma_semaphore, #tpu.memory_space<semaphore_mem>> -> memref<!tpu.dma_semaphore, #tpu.memory_space<semaphore_mem>>
    %dma_start3A_347 = arith.constant 0 : i32
    %dma_start3A_348 = tpu.memref_slice %arg8[%dma_start3A_337, %dma_start3A_347] : memref<2x128xi32, #tpu.memory_space<vmem>> -> memref<1x128xi32, #tpu.memory_space<vmem>>
    %dma_start3A_349 = tpu.memref_squeeze %dma_start3A_348 : memref<1x128xi32, #tpu.memory_space<vmem>> -> memref<128xi32, #tpu.memory_space<vmem>>
    %dma_start3A_350 = arith.constant 0 : i32
    %dma_start3A_351 = tpu.memref_slice %arg3[%arg1, %dma_start3A_336, %dma_start3A_350] : memref<16x158x128xi32, #tpu.memory_space<hbm>> -> memref<1x1x128xi32, #tpu.memory_space<hbm>>
    %dma_start3A_352 = tpu.memref_squeeze %dma_start3A_351 : memref<1x1x128xi32, #tpu.memory_space<hbm>> -> memref<128xi32, #tpu.memory_space<hbm>>
    tpu.enqueue_dma source(%dma_start3A_352 : memref<128xi32, #tpu.memory_space<hbm>>) target(%dma_start3A_349 : memref<128xi32, #tpu.memory_space<vmem>>) target_semaphore(%dma_start3A_346 : memref<!tpu.dma_semaphore, #tpu.memory_space<semaphore_mem>>)
    %dma_wait3A_353 = arith.constant 1 : i32
    %dma_wait3A_354 = arith.constant 1 : i32
    %dma_wait3A_355 = arith.constant 1 : i32
    %dma_wait3A_356 = arith.constant 0 : i32
    %dma_wait3A_357 = tpu.memref_slice %arg8[%dma_wait3A_354, %dma_wait3A_356] : memref<2x128xi32, #tpu.memory_space<vmem>> -> memref<1x128xi32, #tpu.memory_space<vmem>>
    %dma_wait3A_358 = tpu.memref_squeeze %dma_wait3A_357 : memref<1x128xi32, #tpu.memory_space<vmem>> -> memref<128xi32, #tpu.memory_space<vmem>>
    %dma_wait3A_359 = arith.constant 0 : i32
    %dma_wait3A_360 = tpu.memref_slice %arg3[%arg1, %dma_wait3A_353, %dma_wait3A_359] : memref<16x158x128xi32, #tpu.memory_space<hbm>> -> memref<1x1x128xi32, #tpu.memory_space<hbm>>
    %dma_wait3A_361 = tpu.memref_squeeze %dma_wait3A_360 : memref<1x1x128xi32, #tpu.memory_space<hbm>> -> memref<128xi32, #tpu.memory_space<hbm>>
    %dma_wait3A_362 = tpu.memref_slice %arg12[%dma_wait3A_355] : memref<2x!tpu.dma_semaphore, #tpu.memory_space<semaphore_mem>> -> memref<1x!tpu.dma_semaphore, #tpu.memory_space<semaphore_mem>>
    %dma_wait3A_363 = tpu.memref_squeeze %dma_wait3A_362 : memref<1x!tpu.dma_semaphore, #tpu.memory_space<semaphore_mem>> -> memref<!tpu.dma_semaphore, #tpu.memory_space<semaphore_mem>>
    %dma_wait3A_364 = arith.constant 0 : i32
    %dma_wait3A_365 = tpu.memref_slice %arg8[%dma_wait3A_354, %dma_wait3A_364] : memref<2x128xi32, #tpu.memory_space<vmem>> -> memref<1x128xi32, #tpu.memory_space<vmem>>
    %dma_wait3A_366 = tpu.memref_squeeze %dma_wait3A_365 : memref<1x128xi32, #tpu.memory_space<vmem>> -> memref<128xi32, #tpu.memory_space<vmem>>
    %dma_wait3A_367 = arith.constant 0 : i32
    %dma_wait3A_368 = tpu.memref_slice %arg3[%arg1, %dma_wait3A_353, %dma_wait3A_367] : memref<16x158x128xi32, #tpu.memory_space<hbm>> -> memref<1x1x128xi32, #tpu.memory_space<hbm>>
    %dma_wait3A_369 = tpu.memref_squeeze %dma_wait3A_368 : memref<1x1x128xi32, #tpu.memory_space<hbm>> -> memref<128xi32, #tpu.memory_space<hbm>>
    tpu.wait_dma2 semaphore(%dma_wait3A_363 : memref<!tpu.dma_semaphore, #tpu.memory_space<semaphore_mem>>) src(%dma_wait3A_369 : memref<128xi32, #tpu.memory_space<hbm>>) dst(%dma_wait3A_366 : memref<128xi32, #tpu.memory_space<vmem>>)
    %get3A_370 = arith.constant 1 : i32
    %get3A_371 = arith.constant 0 : i32
    %get3A_372 = tpu.memref_slice %arg8[%get3A_370, %get3A_371] : memref<2x128xi32, #tpu.memory_space<vmem>> -> memref<1x128xi32, #tpu.memory_space<vmem>>
    %get3A_373 = tpu.memref_squeeze %get3A_372 : memref<1x128xi32, #tpu.memory_space<vmem>> -> memref<128xi32, #tpu.memory_space<vmem>>
    %get3A_374 = arith.constant 0 : index
    %get3A_375 = tpu.vector_load %get3A_373[%get3A_374] {strides = array<i32>} : memref<128xi32, #tpu.memory_space<vmem>>, vector<16xi32>,
    %get3A_376 = vector.shape_cast %get3A_375 : vector<16xi32> to vector<16xi32>
    %and3A_377 = arith.constant 65535 : i32
    %and3A_378 = vector.broadcast %and3A_377 : i32 to vector<16xi32>
    %and3A_379 = arith.andi %get3A_376, %and3A_378 : vector<16xi32>
    %swap3A_380 = arith.constant 1 : i32
    %swap3A_381 = arith.constant 0 : i32
    %swap3A_382 = tpu.memref_slice %arg9[%swap3A_380, %swap3A_381] : memref<2x128xi32, #tpu.memory_space<vmem>> -> memref<1x128xi32, #tpu.memory_space<vmem>>
    %swap3A_383 = tpu.memref_squeeze %swap3A_382 : memref<1x128xi32, #tpu.memory_space<vmem>> -> memref<128xi32, #tpu.memory_space<vmem>>
    %swap3A_384 = arith.constant 0 : index
    %swap3A_385 = tpu.vector_load %swap3A_383[%swap3A_384] {strides = array<i32>} : memref<128xi32, #tpu.memory_space<vmem>>, vector<16xi32>,
    %swap3A_386 = vector.shape_cast %swap3A_385 : vector<16xi32> to vector<16xi32>
    %swap3A_387 = vector.shape_cast %and3A_379 : vector<16xi32> to vector<16xi32>
    tpu.vector_store %swap3A_383[%swap3A_384], %swap3A_387 {strides = array<i32>} : memref<128xi32, #tpu.memory_space<vmem>>, vector<16xi32>,
    %get3A_388 = arith.constant 1 : i32
    %get3A_389 = arith.constant 0 : i32
    %get3A_390 = tpu.memref_slice %arg8[%get3A_388, %get3A_389] : memref<2x128xi32, #tpu.memory_space<vmem>> -> memref<1x128xi32, #tpu.memory_space<vmem>>
    %get3A_391 = tpu.memref_squeeze %get3A_390 : memref<1x128xi32, #tpu.memory_space<vmem>> -> memref<128xi32, #tpu.memory_space<vmem>>
    %get3A_392 = arith.constant 16 : index
    %get3A_393 = tpu.vector_load %get3A_391[%get3A_392] {strides = array<i32>} : memref<128xi32, #tpu.memory_space<vmem>>, vector<16xi32>,
    %get3A_394 = vector.shape_cast %get3A_393 : vector<16xi32> to vector<16xi32>
    %and3A_395 = arith.constant 65535 : i32
    %and3A_396 = vector.broadcast %and3A_395 : i32 to vector<16xi32>
    %and3A_397 = arith.andi %get3A_394, %and3A_396 : vector<16xi32>
    %swap3A_398 = arith.constant 1 : i32
    %swap3A_399 = arith.constant 0 : i32
    %swap3A_400 = tpu.memref_slice %arg9[%swap3A_398, %swap3A_399] : memref<2x128xi32, #tpu.memory_space<vmem>> -> memref<1x128xi32, #tpu.memory_space<vmem>>
    %swap3A_401 = tpu.memref_squeeze %swap3A_400 : memref<1x128xi32, #tpu.memory_space<vmem>> -> memref<128xi32, #tpu.memory_space<vmem>>
    %swap3A_402 = arith.constant 16 : index
    %swap3A_403 = tpu.vector_load %swap3A_401[%swap3A_402] {strides = array<i32>} : memref<128xi32, #tpu.memory_space<vmem>>, vector<16xi32>,
    %swap3A_404 = vector.shape_cast %swap3A_403 : vector<16xi32> to vector<16xi32>
    %swap3A_405 = vector.shape_cast %and3A_397 : vector<16xi32> to vector<16xi32>
    tpu.vector_store %swap3A_401[%swap3A_402], %swap3A_405 {strides = array<i32>} : memref<128xi32, #tpu.memory_space<vmem>>, vector<16xi32>,
    %get3A_406 = arith.constant 1 : i32
    %get3A_407 = arith.constant 0 : i32
    %get3A_408 = tpu.memref_slice %arg8[%get3A_406, %get3A_407] : memref<2x128xi32, #tpu.memory_space<vmem>> -> memref<1x128xi32, #tpu.memory_space<vmem>>
    %get3A_409 = tpu.memref_squeeze %get3A_408 : memref<1x128xi32, #tpu.memory_space<vmem>> -> memref<128xi32, #tpu.memory_space<vmem>>
    %get3A_410 = arith.constant 32 : index
    %get3A_411 = tpu.vector_load %get3A_409[%get3A_410] {strides = array<i32>} : memref<128xi32, #tpu.memory_space<vmem>>, vector<16xi32>,
    %get3A_412 = vector.shape_cast %get3A_411 : vector<16xi32> to vector<16xi32>
    %and3A_413 = arith.constant 65535 : i32
    %and3A_414 = vector.broadcast %and3A_413 : i32 to vector<16xi32>
    %and3A_415 = arith.andi %get3A_412, %and3A_414 : vector<16xi32>
    %swap3A_416 = arith.constant 1 : i32
    %swap3A_417 = arith.constant 0 : i32
    %swap3A_418 = tpu.memref_slice %arg9[%swap3A_416, %swap3A_417] : memref<2x128xi32, #tpu.memory_space<vmem>> -> memref<1x128xi32, #tpu.memory_space<vmem>>
    %swap3A_419 = tpu.memref_squeeze %swap3A_418 : memref<1x128xi32, #tpu.memory_space<vmem>> -> memref<128xi32, #tpu.memory_space<vmem>>
    %swap3A_420 = arith.constant 32 : index
    %swap3A_421 = tpu.vector_load %swap3A_419[%swap3A_420] {strides = array<i32>} : memref<128xi32, #tpu.memory_space<vmem>>, vector<16xi32>,
    %swap3A_422 = vector.shape_cast %swap3A_421 : vector<16xi32> to vector<16xi32>
    %swap3A_423 = vector.shape_cast %and3A_415 : vector<16xi32> to vector<16xi32>
    tpu.vector_store %swap3A_419[%swap3A_420], %swap3A_423 {strides = array<i32>} : memref<128xi32, #tpu.memory_space<vmem>>, vector<16xi32>,
    %get3A_424 = arith.constant 1 : i32
    %get3A_425 = arith.constant 0 : i32
    %get3A_426 = tpu.memref_slice %arg8[%get3A_424, %get3A_425] : memref<2x128xi32, #tpu.memory_space<vmem>> -> memref<1x128xi32, #tpu.memory_space<vmem>>
    %get3A_427 = tpu.memref_squeeze %get3A_426 : memref<1x128xi32, #tpu.memory_space<vmem>> -> memref<128xi32, #tpu.memory_space<vmem>>
    %get3A_428 = arith.constant 48 : index
    %get3A_429 = tpu.vector_load %get3A_427[%get3A_428] {strides = array<i32>} : memref<128xi32, #tpu.memory_space<vmem>>, vector<16xi32>,
    %get3A_430 = vector.shape_cast %get3A_429 : vector<16xi32> to vector<16xi32>
    %and3A_431 = arith.constant 65535 : i32
    %and3A_432 = vector.broadcast %and3A_431 : i32 to vector<16xi32>
    %and3A_433 = arith.andi %get3A_430, %and3A_432 : vector<16xi32>
    %swap3A_434 = arith.constant 1 : i32
    %swap3A_435 = arith.constant 0 : i32
    %swap3A_436 = tpu.memref_slice %arg9[%swap3A_434, %swap3A_435] : memref<2x128xi32, #tpu.memory_space<vmem>> -> memref<1x128xi32, #tpu.memory_space<vmem>>
    %swap3A_437 = tpu.memref_squeeze %swap3A_436 : memref<1x128xi32, #tpu.memory_space<vmem>> -> memref<128xi32, #tpu.memory_space<vmem>>
    %swap3A_438 = arith.constant 48 : index
    %swap3A_439 = tpu.vector_load %swap3A_437[%swap3A_438] {strides = array<i32>} : memref<128xi32, #tpu.memory_space<vmem>>, vector<16xi32>,
    %swap3A_440 = vector.shape_cast %swap3A_439 : vector<16xi32> to vector<16xi32>
    %swap3A_441 = vector.shape_cast %and3A_433 : vector<16xi32> to vector<16xi32>
    tpu.vector_store %swap3A_437[%swap3A_438], %swap3A_441 {strides = array<i32>} : memref<128xi32, #tpu.memory_space<vmem>>, vector<16xi32>,
    %get3A_442 = arith.constant 1 : i32
    %get3A_443 = arith.constant 0 : i32
    %get3A_444 = tpu.memref_slice %arg8[%get3A_442, %get3A_443] : memref<2x128xi32, #tpu.memory_space<vmem>> -> memref<1x128xi32, #tpu.memory_space<vmem>>
    %get3A_445 = tpu.memref_squeeze %get3A_444 : memref<1x128xi32, #tpu.memory_space<vmem>> -> memref<128xi32, #tpu.memory_space<vmem>>
    %get3A_446 = arith.constant 64 : index
    %get3A_447 = tpu.vector_load %get3A_445[%get3A_446] {strides = array<i32>} : memref<128xi32, #tpu.memory_space<vmem>>, vector<16xi32>,
    %get3A_448 = vector.shape_cast %get3A_447 : vector<16xi32> to vector<16xi32>
    %and3A_449 = arith.constant 65535 : i32
    %and3A_450 = vector.broadcast %and3A_449 : i32 to vector<16xi32>
    %and3A_451 = arith.andi %get3A_448, %and3A_450 : vector<16xi32>
    %swap3A_452 = arith.constant 1 : i32
    %swap3A_453 = arith.constant 0 : i32
    %swap3A_454 = tpu.memref_slice %arg9[%swap3A_452, %swap3A_453] : memref<2x128xi32, #tpu.memory_space<vmem>> -> memref<1x128xi32, #tpu.memory_space<vmem>>
    %swap3A_455 = tpu.memref_squeeze %swap3A_454 : memref<1x128xi32, #tpu.memory_space<vmem>> -> memref<128xi32, #tpu.memory_space<vmem>>
    %swap3A_456 = arith.constant 64 : index
    %swap3A_457 = tpu.vector_load %swap3A_455[%swap3A_456] {strides = array<i32>} : memref<128xi32, #tpu.memory_space<vmem>>, vector<16xi32>,
    %swap3A_458 = vector.shape_cast %swap3A_457 : vector<16xi32> to vector<16xi32>
    %swap3A_459 = vector.shape_cast %and3A_451 : vector<16xi32> to vector<16xi32>
    tpu.vector_store %swap3A_455[%swap3A_456], %swap3A_459 {strides = array<i32>} : memref<128xi32, #tpu.memory_space<vmem>>, vector<16xi32>,
    %get3A_460 = arith.constant 1 : i32
    %get3A_461 = arith.constant 0 : i32
    %get3A_462 = tpu.memref_slice %arg8[%get3A_460, %get3A_461] : memref<2x128xi32, #tpu.memory_space<vmem>> -> memref<1x128xi32, #tpu.memory_space<vmem>>
    %get3A_463 = tpu.memref_squeeze %get3A_462 : memref<1x128xi32, #tpu.memory_space<vmem>> -> memref<128xi32, #tpu.memory_space<vmem>>
    %get3A_464 = arith.constant 80 : index
    %get3A_465 = tpu.vector_load %get3A_463[%get3A_464] {strides = array<i32>} : memref<128xi32, #tpu.memory_space<vmem>>, vector<16xi32>,
    %get3A_466 = vector.shape_cast %get3A_465 : vector<16xi32> to vector<16xi32>
    %and3A_467 = arith.constant 65535 : i32
    %and3A_468 = vector.broadcast %and3A_467 : i32 to vector<16xi32>
    %and3A_469 = arith.andi %get3A_466, %and3A_468 : vector<16xi32>
    %swap3A_470 = arith.constant 1 : i32
    %swap3A_471 = arith.constant 0 : i32
    %swap3A_472 = tpu.memref_slice %arg9[%swap3A_470, %swap3A_471] : memref<2x128xi32, #tpu.memory_space<vmem>> -> memref<1x128xi32, #tpu.memory_space<vmem>>
    %swap3A_473 = tpu.memref_squeeze %swap3A_472 : memref<1x128xi32, #tpu.memory_space<vmem>> -> memref<128xi32, #tpu.memory_space<vmem>>
    %swap3A_474 = arith.constant 80 : index
    %swap3A_475 = tpu.vector_load %swap3A_473[%swap3A_474] {strides = array<i32>} : memref<128xi32, #tpu.memory_space<vmem>>, vector<16xi32>,
    %swap3A_476 = vector.shape_cast %swap3A_475 : vector<16xi32> to vector<16xi32>
    %swap3A_477 = vector.shape_cast %and3A_469 : vector<16xi32> to vector<16xi32>
    tpu.vector_store %swap3A_473[%swap3A_474], %swap3A_477 {strides = array<i32>} : memref<128xi32, #tpu.memory_space<vmem>>, vector<16xi32>,
    %get3A_478 = arith.constant 1 : i32
    %get3A_479 = arith.constant 0 : i32
    %get3A_480 = tpu.memref_slice %arg8[%get3A_478, %get3A_479] : memref<2x128xi32, #tpu.memory_space<vmem>> -> memref<1x128xi32, #tpu.memory_space<vmem>>
    %get3A_481 = tpu.memref_squeeze %get3A_480 : memref<1x128xi32, #tpu.memory_space<vmem>> -> memref<128xi32, #tpu.memory_space<vmem>>
    %get3A_482 = arith.constant 96 : index
    %get3A_483 = tpu.vector_load %get3A_481[%get3A_482] {strides = array<i32>} : memref<128xi32, #tpu.memory_space<vmem>>, vector<16xi32>,
    %get3A_484 = vector.shape_cast %get3A_483 : vector<16xi32> to vector<16xi32>
    %and3A_485 = arith.constant 65535 : i32
    %and3A_486 = vector.broadcast %and3A_485 : i32 to vector<16xi32>
    %and3A_487 = arith.andi %get3A_484, %and3A_486 : vector<16xi32>
    %swap3A_488 = arith.constant 1 : i32
    %swap3A_489 = arith.constant 0 : i32
    %swap3A_490 = tpu.memref_slice %arg9[%swap3A_488, %swap3A_489] : memref<2x128xi32, #tpu.memory_space<vmem>> -> memref<1x128xi32, #tpu.memory_space<vmem>>
    %swap3A_491 = tpu.memref_squeeze %swap3A_490 : memref<1x128xi32, #tpu.memory_space<vmem>> -> memref<128xi32, #tpu.memory_space<vmem>>
    %swap3A_492 = arith.constant 96 : index
    %swap3A_493 = tpu.vector_load %swap3A_491[%swap3A_492] {strides = array<i32>} : memref<128xi32, #tpu.memory_space<vmem>>, vector<16xi32>,
    %swap3A_494 = vector.shape_cast %swap3A_493 : vector<16xi32> to vector<16xi32>
    %swap3A_495 = vector.shape_cast %and3A_487 : vector<16xi32> to vector<16xi32>
    tpu.vector_store %swap3A_491[%swap3A_492], %swap3A_495 {strides = array<i32>} : memref<128xi32, #tpu.memory_space<vmem>>, vector<16xi32>,
    %get3A_496 = arith.constant 1 : i32
    %get3A_497 = arith.constant 0 : i32
    %get3A_498 = tpu.memref_slice %arg8[%get3A_496, %get3A_497] : memref<2x128xi32, #tpu.memory_space<vmem>> -> memref<1x128xi32, #tpu.memory_space<vmem>>
    %get3A_499 = tpu.memref_squeeze %get3A_498 : memref<1x128xi32, #tpu.memory_space<vmem>> -> memref<128xi32, #tpu.memory_space<vmem>>
    %get3A_500 = arith.constant 112 : index
    %get3A_501 = tpu.vector_load %get3A_499[%get3A_500] {strides = array<i32>} : memref<128xi32, #tpu.memory_space<vmem>>, vector<16xi32>,
    %get3A_502 = vector.shape_cast %get3A_501 : vector<16xi32> to vector<16xi32>
    %and3A_503 = arith.constant 65535 : i32
    %and3A_504 = vector.broadcast %and3A_503 : i32 to vector<16xi32>
    %and3A_505 = arith.andi %get3A_502, %and3A_504 : vector<16xi32>
    %swap3A_506 = arith.constant 1 : i32
    %swap3A_507 = arith.constant 0 : i32
    %swap3A_508 = tpu.memref_slice %arg9[%swap3A_506, %swap3A_507] : memref<2x128xi32, #tpu.memory_space<vmem>> -> memref<1x128xi32, #tpu.memory_space<vmem>>
    %swap3A_509 = tpu.memref_squeeze %swap3A_508 : memref<1x128xi32, #tpu.memory_space<vmem>> -> memref<128xi32, #tpu.memory_space<vmem>>
    %swap3A_510 = arith.constant 112 : index
    %swap3A_511 = tpu.vector_load %swap3A_509[%swap3A_510] {strides = array<i32>} : memref<128xi32, #tpu.memory_space<vmem>>, vector<16xi32>,
    %swap3A_512 = vector.shape_cast %swap3A_511 : vector<16xi32> to vector<16xi32>
    %swap3A_513 = vector.shape_cast %and3A_505 : vector<16xi32> to vector<16xi32>
    tpu.vector_store %swap3A_509[%swap3A_510], %swap3A_513 {strides = array<i32>} : memref<128xi32, #tpu.memory_space<vmem>>, vector<16xi32>,
    %dma_start3A_514 = arith.constant 0 : i32
    %dma_start3A_515 = arith.constant 0 : i32
    %dma_start3A_516 = arith.constant 0 : i32
    %dma_start3A_517 = arith.constant 0 : i32
    %dma_start3A_518 = arith.constant 0 : i32
    %dma_start3A_519 = tpu.memref_slice %arg11[%dma_start3A_515, %dma_start3A_517, %dma_start3A_518] : memref<2x128x64xf32, #tpu.memory_space<vmem>> -> memref<1x128x64xf32, #tpu.memory_space<vmem>>
    %dma_start3A_520 = tpu.memref_squeeze %dma_start3A_519 : memref<1x128x64xf32, #tpu.memory_space<vmem>> -> memref<128x64xf32, #tpu.memory_space<vmem>>
    %dma_start3A_521 = arith.constant 0 : i32
    %dma_start3A_522 = tpu.memref_slice %arg9[%dma_start3A_514, %dma_start3A_521] : memref<2x128xi32, #tpu.memory_space<vmem>> -> memref<1x128xi32, #tpu.memory_space<vmem>>
    %dma_start3A_523 = tpu.memref_squeeze %dma_start3A_522 : memref<1x128xi32, #tpu.memory_space<vmem>> -> memref<128xi32, #tpu.memory_space<vmem>>
    %dma_start3A_524 = arith.constant 0 : i32
    %dma_start3A_525 = arith.constant 0 : i32
    %dma_start3A_526 = tpu.memref_slice %arg6[%dma_start3A_524, %dma_start3A_525] : memref<10008x64xf32, #tpu.memory_space<vmem_shared>> -> memref<10008x64xf32, #tpu.memory_space<vmem_shared>>
    %dma_start3A_527 = tpu.memref_slice %arg13[%dma_start3A_516] : memref<2x!tpu.dma_semaphore, #tpu.memory_space<semaphore_mem>> -> memref<1x!tpu.dma_semaphore, #tpu.memory_space<semaphore_mem>>
    %dma_start3A_528 = tpu.memref_squeeze %dma_start3A_527 : memref<1x!tpu.dma_semaphore, #tpu.memory_space<semaphore_mem>> -> memref<!tpu.dma_semaphore, #tpu.memory_space<semaphore_mem>>
    tpu.enqueue_indirect_dma source(%dma_start3A_526 : memref<10008x64xf32, #tpu.memory_space<vmem_shared>>) target(%dma_start3A_520 : memref<128x64xf32, #tpu.memory_space<vmem>>) offsets(%dma_start3A_523 : memref<128xi32, #tpu.memory_space<vmem>>) semaphore(%dma_start3A_528 : memref<!tpu.dma_semaphore, #tpu.memory_space<semaphore_mem>>)
    %scan3A = arith.constant 0 : i32
    %scan3A_529 = arith.constant 0 : i32
    %scan3A_530 = arith.constant 79 : i32
    %scan3A_531 = arith.addi %scan3A_529, %scan3A_530 : i32
    %scan3A_532 = arith.constant 1 : i32
    scf.for %scan3A_555 = %scan3A_529 to %scan3A_531 step %scan3A_532  : i32 {
      %mul3A_556 = arith.constant 2 : i32
      %mul3A_557 = arith.muli %mul3A_556, %scan3A_555 : i32
      %add3A = arith.constant 1 : i32
      %add3A_558 = arith.addi %mul3A_557, %add3A : i32
      %lt3A = arith.constant 78 : i32
      %lt3A_559 = arith.cmpi slt, %scan3A_555, %lt3A : i32
      %dma_wait3A_560 = arith.constant 0 : i32
      %dma_wait3A_561 = arith.constant 0 : i32
      %dma_wait3A_562 = arith.constant 0 : i32
      %dma_wait3A_563 = arith.constant 0 : i32
      %dma_wait3A_564 = arith.constant 0 : i32
      %dma_wait3A_565 = tpu.memref_slice %arg11[%dma_wait3A_561, %dma_wait3A_563, %dma_wait3A_564] : memref<2x128x64xf32, #tpu.memory_space<vmem>> -> memref<1x128x64xf32, #tpu.memory_space<vmem>>
      %dma_wait3A_566 = tpu.memref_squeeze %dma_wait3A_565 : memref<1x128x64xf32, #tpu.memory_space<vmem>> -> memref<128x64xf32, #tpu.memory_space<vmem>>
      %dma_wait3A_567 = arith.constant 0 : i32
      %dma_wait3A_568 = tpu.memref_slice %arg9[%dma_wait3A_560, %dma_wait3A_567] : memref<2x128xi32, #tpu.memory_space<vmem>> -> memref<1x128xi32, #tpu.memory_space<vmem>>
      %dma_wait3A_569 = tpu.memref_squeeze %dma_wait3A_568 : memref<1x128xi32, #tpu.memory_space<vmem>> -> memref<128xi32, #tpu.memory_space<vmem>>
      %dma_wait3A_570 = arith.constant 0 : i32
      %dma_wait3A_571 = arith.constant 0 : i32
      %dma_wait3A_572 = tpu.memref_slice %arg6[%dma_wait3A_570, %dma_wait3A_571] : memref<10008x64xf32, #tpu.memory_space<vmem_shared>> -> memref<10008x64xf32, #tpu.memory_space<vmem_shared>>
      %dma_wait3A_573 = tpu.memref_slice %arg13[%dma_wait3A_562] : memref<2x!tpu.dma_semaphore, #tpu.memory_space<semaphore_mem>> -> memref<1x!tpu.dma_semaphore, #tpu.memory_space<semaphore_mem>>
      %dma_wait3A_574 = tpu.memref_squeeze %dma_wait3A_573 : memref<1x!tpu.dma_semaphore, #tpu.memory_space<semaphore_mem>> -> memref<!tpu.dma_semaphore, #tpu.memory_space<semaphore_mem>>
      tpu.wait_indirect_dma semaphore(%dma_wait3A_574 : memref<!tpu.dma_semaphore, #tpu.memory_space<semaphore_mem>>) src(%dma_wait3A_572 : memref<10008x64xf32, #tpu.memory_space<vmem_shared>>) dst(%dma_wait3A_566 : memref<128x64xf32, #tpu.memory_space<vmem>>)
      %dma_start3A_575 = arith.constant 0 : i32
      %dma_start3A_576 = arith.constant 0 : i32
      %dma_start3A_577 = arith.constant 0 : i32
      %dma_start3A_578 = arith.constant 0 : i32
      %dma_start3A_579 = arith.constant 0 : i32
      %dma_start3A_580 = tpu.memref_slice %arg11[%dma_start3A_575, %dma_start3A_578, %dma_start3A_579] : memref<2x128x64xf32, #tpu.memory_space<vmem>> -> memref<1x128x64xf32, #tpu.memory_space<vmem>>
      %dma_start3A_581 = tpu.memref_squeeze %dma_start3A_580 : memref<1x128x64xf32, #tpu.memory_space<vmem>> -> memref<128x64xf32, #tpu.memory_space<vmem>>
      %dma_start3A_582 = arith.constant 0 : i32
      %dma_start3A_583 = tpu.memref_slice %arg10[%dma_start3A_576, %dma_start3A_582] : memref<2x128xi32, #tpu.memory_space<vmem>> -> memref<1x128xi32, #tpu.memory_space<vmem>>
      %dma_start3A_584 = tpu.memref_squeeze %dma_start3A_583 : memref<1x128xi32, #tpu.memory_space<vmem>> -> memref<128xi32, #tpu.memory_space<vmem>>
      %dma_start3A_585 = arith.constant 0 : i32
      %dma_start3A_586 = arith.constant 0 : i32
      %dma_start3A_587 = tpu.memref_slice %arg7[%dma_start3A_585, %dma_start3A_586] : memref<10008x64xf32, #tpu.memory_space<vmem_shared>> -> memref<10008x64xf32, #tpu.memory_space<vmem_shared>>
      %dma_start3A_588 = tpu.memref_slice %arg14[%dma_start3A_577] : memref<2x!tpu.dma_semaphore, #tpu.memory_space<semaphore_mem>> -> memref<1x!tpu.dma_semaphore, #tpu.memory_space<semaphore_mem>>
      %dma_start3A_589 = tpu.memref_squeeze %dma_start3A_588 : memref<1x!tpu.dma_semaphore, #tpu.memory_space<semaphore_mem>> -> memref<!tpu.dma_semaphore, #tpu.memory_space<semaphore_mem>>
      tpu.enqueue_indirect_dma source(%dma_start3A_581 : memref<128x64xf32, #tpu.memory_space<vmem>>) target(%dma_start3A_587 : memref<10008x64xf32, #tpu.memory_space<vmem_shared>>) offsets(%dma_start3A_584 : memref<128xi32, #tpu.memory_space<vmem>>) semaphore(%dma_start3A_589 : memref<!tpu.dma_semaphore, #tpu.memory_space<semaphore_mem>>) {add = true}
      %convert_element_type3A_590 = arith.extui %lt3A_559 : i1 to i32
      %cond3A_591 = arith.constant 0 : i32
      %cond3A_592 = arith.cmpi ne, %convert_element_type3A_590, %cond3A_591 : i32
      scf.if %cond3A_592 {
        %add3A_815 = arith.constant 2 : i32
        %add3A_816 = arith.addi %mul3A_557, %add3A_815 : i32
        %dma_wait3A_817 = arith.constant 0 : i32
        %dma_wait3A_818 = arith.constant 0 : i32
        %dma_wait3A_819 = arith.constant 0 : i32
        %dma_wait3A_820 = tpu.memref_slice %arg8[%dma_wait3A_817, %dma_wait3A_819] : memref<2x128xi32, #tpu.memory_space<vmem>> -> memref<1x128xi32, #tpu.memory_space<vmem>>
        %dma_wait3A_821 = tpu.memref_squeeze %dma_wait3A_820 : memref<1x128xi32, #tpu.memory_space<vmem>> -> memref<128xi32, #tpu.memory_space<vmem>>
        %dma_wait3A_822 = arith.constant 0 : i32
        %dma_wait3A_823 = tpu.memref_slice %arg3[%arg1, %add3A_816, %dma_wait3A_822] : memref<16x158x128xi32, #tpu.memory_space<hbm>> -> memref<1x1x128xi32, #tpu.memory_space<hbm>>
        %dma_wait3A_824 = tpu.memref_squeeze %dma_wait3A_823 : memref<1x1x128xi32, #tpu.memory_space<hbm>> -> memref<128xi32, #tpu.memory_space<hbm>>
        %dma_wait3A_825 = tpu.memref_slice %arg12[%dma_wait3A_818] : memref<2x!tpu.dma_semaphore, #tpu.memory_space<semaphore_mem>> -> memref<1x!tpu.dma_semaphore, #tpu.memory_space<semaphore_mem>>
        %dma_wait3A_826 = tpu.memref_squeeze %dma_wait3A_825 : memref<1x!tpu.dma_semaphore, #tpu.memory_space<semaphore_mem>> -> memref<!tpu.dma_semaphore, #tpu.memory_space<semaphore_mem>>
        %dma_wait3A_827 = arith.constant 0 : i32
        %dma_wait3A_828 = tpu.memref_slice %arg8[%dma_wait3A_817, %dma_wait3A_827] : memref<2x128xi32, #tpu.memory_space<vmem>> -> memref<1x128xi32, #tpu.memory_space<vmem>>
        %dma_wait3A_829 = tpu.memref_squeeze %dma_wait3A_828 : memref<1x128xi32, #tpu.memory_space<vmem>> -> memref<128xi32, #tpu.memory_space<vmem>>
        %dma_wait3A_830 = arith.constant 0 : i32
        %dma_wait3A_831 = tpu.memref_slice %arg3[%arg1, %add3A_816, %dma_wait3A_830] : memref<16x158x128xi32, #tpu.memory_space<hbm>> -> memref<1x1x128xi32, #tpu.memory_space<hbm>>
        %dma_wait3A_832 = tpu.memref_squeeze %dma_wait3A_831 : memref<1x1x128xi32, #tpu.memory_space<hbm>> -> memref<128xi32, #tpu.memory_space<hbm>>
        tpu.wait_dma2 semaphore(%dma_wait3A_826 : memref<!tpu.dma_semaphore, #tpu.memory_space<semaphore_mem>>) src(%dma_wait3A_832 : memref<128xi32, #tpu.memory_space<hbm>>) dst(%dma_wait3A_829 : memref<128xi32, #tpu.memory_space<vmem>>)
        %get3A_833 = arith.constant 0 : i32
        %get3A_834 = arith.constant 0 : i32
        %get3A_835 = tpu.memref_slice %arg8[%get3A_833, %get3A_834] : memref<2x128xi32, #tpu.memory_space<vmem>> -> memref<1x128xi32, #tpu.memory_space<vmem>>
        %get3A_836 = tpu.memref_squeeze %get3A_835 : memref<1x128xi32, #tpu.memory_space<vmem>> -> memref<128xi32, #tpu.memory_space<vmem>>
        %get3A_837 = arith.constant 0 : index
        %get3A_838 = tpu.vector_load %get3A_836[%get3A_837] {strides = array<i32>} : memref<128xi32, #tpu.memory_space<vmem>>, vector<16xi32>,
        %get3A_839 = vector.shape_cast %get3A_838 : vector<16xi32> to vector<16xi32>
        %and3A_840 = arith.constant 65535 : i32
        %and3A_841 = vector.broadcast %and3A_840 : i32 to vector<16xi32>
        %and3A_842 = arith.andi %get3A_839, %and3A_841 : vector<16xi32>
        %swap3A_843 = arith.constant 0 : i32
        %swap3A_844 = arith.constant 0 : i32
        %swap3A_845 = tpu.memref_slice %arg9[%swap3A_843, %swap3A_844] : memref<2x128xi32, #tpu.memory_space<vmem>> -> memref<1x128xi32, #tpu.memory_space<vmem>>
        %swap3A_846 = tpu.memref_squeeze %swap3A_845 : memref<1x128xi32, #tpu.memory_space<vmem>> -> memref<128xi32, #tpu.memory_space<vmem>>
        %swap3A_847 = arith.constant 0 : index
        %swap3A_848 = tpu.vector_load %swap3A_846[%swap3A_847] {strides = array<i32>} : memref<128xi32, #tpu.memory_space<vmem>>, vector<16xi32>,
        %swap3A_849 = vector.shape_cast %swap3A_848 : vector<16xi32> to vector<16xi32>
        %swap3A_850 = vector.shape_cast %and3A_842 : vector<16xi32> to vector<16xi32>
        tpu.vector_store %swap3A_846[%swap3A_847], %swap3A_850 {strides = array<i32>} : memref<128xi32, #tpu.memory_space<vmem>>, vector<16xi32>,
        %get3A_851 = arith.constant 0 : i32
        %get3A_852 = arith.constant 0 : i32
        %get3A_853 = tpu.memref_slice %arg8[%get3A_851, %get3A_852] : memref<2x128xi32, #tpu.memory_space<vmem>> -> memref<1x128xi32, #tpu.memory_space<vmem>>
        %get3A_854 = tpu.memref_squeeze %get3A_853 : memref<1x128xi32, #tpu.memory_space<vmem>> -> memref<128xi32, #tpu.memory_space<vmem>>
        %get3A_855 = arith.constant 16 : index
        %get3A_856 = tpu.vector_load %get3A_854[%get3A_855] {strides = array<i32>} : memref<128xi32, #tpu.memory_space<vmem>>, vector<16xi32>,
        %get3A_857 = vector.shape_cast %get3A_856 : vector<16xi32> to vector<16xi32>
        %and3A_858 = arith.constant 65535 : i32
        %and3A_859 = vector.broadcast %and3A_858 : i32 to vector<16xi32>
        %and3A_860 = arith.andi %get3A_857, %and3A_859 : vector<16xi32>
        %swap3A_861 = arith.constant 0 : i32
        %swap3A_862 = arith.constant 0 : i32
        %swap3A_863 = tpu.memref_slice %arg9[%swap3A_861, %swap3A_862] : memref<2x128xi32, #tpu.memory_space<vmem>> -> memref<1x128xi32, #tpu.memory_space<vmem>>
        %swap3A_864 = tpu.memref_squeeze %swap3A_863 : memref<1x128xi32, #tpu.memory_space<vmem>> -> memref<128xi32, #tpu.memory_space<vmem>>
        %swap3A_865 = arith.constant 16 : index
        %swap3A_866 = tpu.vector_load %swap3A_864[%swap3A_865] {strides = array<i32>} : memref<128xi32, #tpu.memory_space<vmem>>, vector<16xi32>,
        %swap3A_867 = vector.shape_cast %swap3A_866 : vector<16xi32> to vector<16xi32>
        %swap3A_868 = vector.shape_cast %and3A_860 : vector<16xi32> to vector<16xi32>
        tpu.vector_store %swap3A_864[%swap3A_865], %swap3A_868 {strides = array<i32>} : memref<128xi32, #tpu.memory_space<vmem>>, vector<16xi32>,
        %get3A_869 = arith.constant 0 : i32
        %get3A_870 = arith.constant 0 : i32
        %get3A_871 = tpu.memref_slice %arg8[%get3A_869, %get3A_870] : memref<2x128xi32, #tpu.memory_space<vmem>> -> memref<1x128xi32, #tpu.memory_space<vmem>>
        %get3A_872 = tpu.memref_squeeze %get3A_871 : memref<1x128xi32, #tpu.memory_space<vmem>> -> memref<128xi32, #tpu.memory_space<vmem>>
        %get3A_873 = arith.constant 32 : index
        %get3A_874 = tpu.vector_load %get3A_872[%get3A_873] {strides = array<i32>} : memref<128xi32, #tpu.memory_space<vmem>>, vector<16xi32>,
        %get3A_875 = vector.shape_cast %get3A_874 : vector<16xi32> to vector<16xi32>
        %and3A_876 = arith.constant 65535 : i32
        %and3A_877 = vector.broadcast %and3A_876 : i32 to vector<16xi32>
        %and3A_878 = arith.andi %get3A_875, %and3A_877 : vector<16xi32>
        %swap3A_879 = arith.constant 0 : i32
        %swap3A_880 = arith.constant 0 : i32
        %swap3A_881 = tpu.memref_slice %arg9[%swap3A_879, %swap3A_880] : memref<2x128xi32, #tpu.memory_space<vmem>> -> memref<1x128xi32, #tpu.memory_space<vmem>>
        %swap3A_882 = tpu.memref_squeeze %swap3A_881 : memref<1x128xi32, #tpu.memory_space<vmem>> -> memref<128xi32, #tpu.memory_space<vmem>>
        %swap3A_883 = arith.constant 32 : index
        %swap3A_884 = tpu.vector_load %swap3A_882[%swap3A_883] {strides = array<i32>} : memref<128xi32, #tpu.memory_space<vmem>>, vector<16xi32>,
        %swap3A_885 = vector.shape_cast %swap3A_884 : vector<16xi32> to vector<16xi32>
        %swap3A_886 = vector.shape_cast %and3A_878 : vector<16xi32> to vector<16xi32>
        tpu.vector_store %swap3A_882[%swap3A_883], %swap3A_886 {strides = array<i32>} : memref<128xi32, #tpu.memory_space<vmem>>, vector<16xi32>,
        %get3A_887 = arith.constant 0 : i32
        %get3A_888 = arith.constant 0 : i32
        %get3A_889 = tpu.memref_slice %arg8[%get3A_887, %get3A_888] : memref<2x128xi32, #tpu.memory_space<vmem>> -> memref<1x128xi32, #tpu.memory_space<vmem>>
        %get3A_890 = tpu.memref_squeeze %get3A_889 : memref<1x128xi32, #tpu.memory_space<vmem>> -> memref<128xi32, #tpu.memory_space<vmem>>
        %get3A_891 = arith.constant 48 : index
        %get3A_892 = tpu.vector_load %get3A_890[%get3A_891] {strides = array<i32>} : memref<128xi32, #tpu.memory_space<vmem>>, vector<16xi32>,
        %get3A_893 = vector.shape_cast %get3A_892 : vector<16xi32> to vector<16xi32>
        %and3A_894 = arith.constant 65535 : i32
        %and3A_895 = vector.broadcast %and3A_894 : i32 to vector<16xi32>
        %and3A_896 = arith.andi %get3A_893, %and3A_895 : vector<16xi32>
        %swap3A_897 = arith.constant 0 : i32
        %swap3A_898 = arith.constant 0 : i32
        %swap3A_899 = tpu.memref_slice %arg9[%swap3A_897, %swap3A_898] : memref<2x128xi32, #tpu.memory_space<vmem>> -> memref<1x128xi32, #tpu.memory_space<vmem>>
        %swap3A_900 = tpu.memref_squeeze %swap3A_899 : memref<1x128xi32, #tpu.memory_space<vmem>> -> memref<128xi32, #tpu.memory_space<vmem>>
        %swap3A_901 = arith.constant 48 : index
        %swap3A_902 = tpu.vector_load %swap3A_900[%swap3A_901] {strides = array<i32>} : memref<128xi32, #tpu.memory_space<vmem>>, vector<16xi32>,
        %swap3A_903 = vector.shape_cast %swap3A_902 : vector<16xi32> to vector<16xi32>
        %swap3A_904 = vector.shape_cast %and3A_896 : vector<16xi32> to vector<16xi32>
        tpu.vector_store %swap3A_900[%swap3A_901], %swap3A_904 {strides = array<i32>} : memref<128xi32, #tpu.memory_space<vmem>>, vector<16xi32>,
        %get3A_905 = arith.constant 0 : i32
        %get3A_906 = arith.constant 0 : i32
        %get3A_907 = tpu.memref_slice %arg8[%get3A_905, %get3A_906] : memref<2x128xi32, #tpu.memory_space<vmem>> -> memref<1x128xi32, #tpu.memory_space<vmem>>
        %get3A_908 = tpu.memref_squeeze %get3A_907 : memref<1x128xi32, #tpu.memory_space<vmem>> -> memref<128xi32, #tpu.memory_space<vmem>>
        %get3A_909 = arith.constant 64 : index
        %get3A_910 = tpu.vector_load %get3A_908[%get3A_909] {strides = array<i32>} : memref<128xi32, #tpu.memory_space<vmem>>, vector<16xi32>,
        %get3A_911 = vector.shape_cast %get3A_910 : vector<16xi32> to vector<16xi32>
        %and3A_912 = arith.constant 65535 : i32
        %and3A_913 = vector.broadcast %and3A_912 : i32 to vector<16xi32>
        %and3A_914 = arith.andi %get3A_911, %and3A_913 : vector<16xi32>
        %swap3A_915 = arith.constant 0 : i32
        %swap3A_916 = arith.constant 0 : i32
        %swap3A_917 = tpu.memref_slice %arg9[%swap3A_915, %swap3A_916] : memref<2x128xi32, #tpu.memory_space<vmem>> -> memref<1x128xi32, #tpu.memory_space<vmem>>
        %swap3A_918 = tpu.memref_squeeze %swap3A_917 : memref<1x128xi32, #tpu.memory_space<vmem>> -> memref<128xi32, #tpu.memory_space<vmem>>
        %swap3A_919 = arith.constant 64 : index
        %swap3A_920 = tpu.vector_load %swap3A_918[%swap3A_919] {strides = array<i32>} : memref<128xi32, #tpu.memory_space<vmem>>, vector<16xi32>,
        %swap3A_921 = vector.shape_cast %swap3A_920 : vector<16xi32> to vector<16xi32>
        %swap3A_922 = vector.shape_cast %and3A_914 : vector<16xi32> to vector<16xi32>
        tpu.vector_store %swap3A_918[%swap3A_919], %swap3A_922 {strides = array<i32>} : memref<128xi32, #tpu.memory_space<vmem>>, vector<16xi32>,
        %get3A_923 = arith.constant 0 : i32
        %get3A_924 = arith.constant 0 : i32
        %get3A_925 = tpu.memref_slice %arg8[%get3A_923, %get3A_924] : memref<2x128xi32, #tpu.memory_space<vmem>> -> memref<1x128xi32, #tpu.memory_space<vmem>>
        %get3A_926 = tpu.memref_squeeze %get3A_925 : memref<1x128xi32, #tpu.memory_space<vmem>> -> memref<128xi32, #tpu.memory_space<vmem>>
        %get3A_927 = arith.constant 80 : index
        %get3A_928 = tpu.vector_load %get3A_926[%get3A_927] {strides = array<i32>} : memref<128xi32, #tpu.memory_space<vmem>>, vector<16xi32>,
        %get3A_929 = vector.shape_cast %get3A_928 : vector<16xi32> to vector<16xi32>
        %and3A_930 = arith.constant 65535 : i32
        %and3A_931 = vector.broadcast %and3A_930 : i32 to vector<16xi32>
        %and3A_932 = arith.andi %get3A_929, %and3A_931 : vector<16xi32>
        %swap3A_933 = arith.constant 0 : i32
        %swap3A_934 = arith.constant 0 : i32
        %swap3A_935 = tpu.memref_slice %arg9[%swap3A_933, %swap3A_934] : memref<2x128xi32, #tpu.memory_space<vmem>> -> memref<1x128xi32, #tpu.memory_space<vmem>>
        %swap3A_936 = tpu.memref_squeeze %swap3A_935 : memref<1x128xi32, #tpu.memory_space<vmem>> -> memref<128xi32, #tpu.memory_space<vmem>>
        %swap3A_937 = arith.constant 80 : index
        %swap3A_938 = tpu.vector_load %swap3A_936[%swap3A_937] {strides = array<i32>} : memref<128xi32, #tpu.memory_space<vmem>>, vector<16xi32>,
        %swap3A_939 = vector.shape_cast %swap3A_938 : vector<16xi32> to vector<16xi32>
        %swap3A_940 = vector.shape_cast %and3A_932 : vector<16xi32> to vector<16xi32>
        tpu.vector_store %swap3A_936[%swap3A_937], %swap3A_940 {strides = array<i32>} : memref<128xi32, #tpu.memory_space<vmem>>, vector<16xi32>,
        %get3A_941 = arith.constant 0 : i32
        %get3A_942 = arith.constant 0 : i32
        %get3A_943 = tpu.memref_slice %arg8[%get3A_941, %get3A_942] : memref<2x128xi32, #tpu.memory_space<vmem>> -> memref<1x128xi32, #tpu.memory_space<vmem>>
        %get3A_944 = tpu.memref_squeeze %get3A_943 : memref<1x128xi32, #tpu.memory_space<vmem>> -> memref<128xi32, #tpu.memory_space<vmem>>
        %get3A_945 = arith.constant 96 : index
        %get3A_946 = tpu.vector_load %get3A_944[%get3A_945] {strides = array<i32>} : memref<128xi32, #tpu.memory_space<vmem>>, vector<16xi32>,
        %get3A_947 = vector.shape_cast %get3A_946 : vector<16xi32> to vector<16xi32>
        %and3A_948 = arith.constant 65535 : i32
        %and3A_949 = vector.broadcast %and3A_948 : i32 to vector<16xi32>
        %and3A_950 = arith.andi %get3A_947, %and3A_949 : vector<16xi32>
        %swap3A_951 = arith.constant 0 : i32
        %swap3A_952 = arith.constant 0 : i32
        %swap3A_953 = tpu.memref_slice %arg9[%swap3A_951, %swap3A_952] : memref<2x128xi32, #tpu.memory_space<vmem>> -> memref<1x128xi32, #tpu.memory_space<vmem>>
        %swap3A_954 = tpu.memref_squeeze %swap3A_953 : memref<1x128xi32, #tpu.memory_space<vmem>> -> memref<128xi32, #tpu.memory_space<vmem>>
        %swap3A_955 = arith.constant 96 : index
        %swap3A_956 = tpu.vector_load %swap3A_954[%swap3A_955] {strides = array<i32>} : memref<128xi32, #tpu.memory_space<vmem>>, vector<16xi32>,
        %swap3A_957 = vector.shape_cast %swap3A_956 : vector<16xi32> to vector<16xi32>
        %swap3A_958 = vector.shape_cast %and3A_950 : vector<16xi32> to vector<16xi32>
        tpu.vector_store %swap3A_954[%swap3A_955], %swap3A_958 {strides = array<i32>} : memref<128xi32, #tpu.memory_space<vmem>>, vector<16xi32>,
        %get3A_959 = arith.constant 0 : i32
        %get3A_960 = arith.constant 0 : i32
        %get3A_961 = tpu.memref_slice %arg8[%get3A_959, %get3A_960] : memref<2x128xi32, #tpu.memory_space<vmem>> -> memref<1x128xi32, #tpu.memory_space<vmem>>
        %get3A_962 = tpu.memref_squeeze %get3A_961 : memref<1x128xi32, #tpu.memory_space<vmem>> -> memref<128xi32, #tpu.memory_space<vmem>>
        %get3A_963 = arith.constant 112 : index
        %get3A_964 = tpu.vector_load %get3A_962[%get3A_963] {strides = array<i32>} : memref<128xi32, #tpu.memory_space<vmem>>, vector<16xi32>,
        %get3A_965 = vector.shape_cast %get3A_964 : vector<16xi32> to vector<16xi32>
        %and3A_966 = arith.constant 65535 : i32
        %and3A_967 = vector.broadcast %and3A_966 : i32 to vector<16xi32>
        %and3A_968 = arith.andi %get3A_965, %and3A_967 : vector<16xi32>
        %swap3A_969 = arith.constant 0 : i32
        %swap3A_970 = arith.constant 0 : i32
        %swap3A_971 = tpu.memref_slice %arg9[%swap3A_969, %swap3A_970] : memref<2x128xi32, #tpu.memory_space<vmem>> -> memref<1x128xi32, #tpu.memory_space<vmem>>
        %swap3A_972 = tpu.memref_squeeze %swap3A_971 : memref<1x128xi32, #tpu.memory_space<vmem>> -> memref<128xi32, #tpu.memory_space<vmem>>
        %swap3A_973 = arith.constant 112 : index
        %swap3A_974 = tpu.vector_load %swap3A_972[%swap3A_973] {strides = array<i32>} : memref<128xi32, #tpu.memory_space<vmem>>, vector<16xi32>,
        %swap3A_975 = vector.shape_cast %swap3A_974 : vector<16xi32> to vector<16xi32>
        %swap3A_976 = vector.shape_cast %and3A_968 : vector<16xi32> to vector<16xi32>
        tpu.vector_store %swap3A_972[%swap3A_973], %swap3A_976 {strides = array<i32>} : memref<128xi32, #tpu.memory_space<vmem>>, vector<16xi32>,
      } else {
      }
      %gt3A = arith.constant 0 : i32
      %gt3A_593 = arith.cmpi sgt, %scan3A_555, %gt3A : i32
      %convert_element_type3A_594 = arith.extui %gt3A_593 : i1 to i32
      %cond3A_595 = arith.constant 0 : i32
      %cond3A_596 = arith.cmpi ne, %convert_element_type3A_594, %cond3A_595 : i32
      scf.if %cond3A_596 {
        %dma_wait3A_815 = arith.constant 1 : i32
        %dma_wait3A_816 = arith.constant 1 : i32
        %dma_wait3A_817 = arith.constant 1 : i32
        %dma_wait3A_818 = arith.constant 0 : i32
        %dma_wait3A_819 = arith.constant 0 : i32
        %dma_wait3A_820 = tpu.memref_slice %arg11[%dma_wait3A_815, %dma_wait3A_818, %dma_wait3A_819] : memref<2x128x64xf32, #tpu.memory_space<vmem>> -> memref<1x128x64xf32, #tpu.memory_space<vmem>>
        %dma_wait3A_821 = tpu.memref_squeeze %dma_wait3A_820 : memref<1x128x64xf32, #tpu.memory_space<vmem>> -> memref<128x64xf32, #tpu.memory_space<vmem>>
        %dma_wait3A_822 = arith.constant 0 : i32
        %dma_wait3A_823 = tpu.memref_slice %arg10[%dma_wait3A_816, %dma_wait3A_822] : memref<2x128xi32, #tpu.memory_space<vmem>> -> memref<1x128xi32, #tpu.memory_space<vmem>>
        %dma_wait3A_824 = tpu.memref_squeeze %dma_wait3A_823 : memref<1x128xi32, #tpu.memory_space<vmem>> -> memref<128xi32, #tpu.memory_space<vmem>>
        %dma_wait3A_825 = arith.constant 0 : i32
        %dma_wait3A_826 = arith.constant 0 : i32
        %dma_wait3A_827 = tpu.memref_slice %arg7[%dma_wait3A_825, %dma_wait3A_826] : memref<10008x64xf32, #tpu.memory_space<vmem_shared>> -> memref<10008x64xf32, #tpu.memory_space<vmem_shared>>
        %dma_wait3A_828 = tpu.memref_slice %arg14[%dma_wait3A_817] : memref<2x!tpu.dma_semaphore, #tpu.memory_space<semaphore_mem>> -> memref<1x!tpu.dma_semaphore, #tpu.memory_space<semaphore_mem>>
        %dma_wait3A_829 = tpu.memref_squeeze %dma_wait3A_828 : memref<1x!tpu.dma_semaphore, #tpu.memory_space<semaphore_mem>> -> memref<!tpu.dma_semaphore, #tpu.memory_space<semaphore_mem>>
        tpu.wait_indirect_dma semaphore(%dma_wait3A_829 : memref<!tpu.dma_semaphore, #tpu.memory_space<semaphore_mem>>) src(%dma_wait3A_821 : memref<128x64xf32, #tpu.memory_space<vmem>>) dst(%dma_wait3A_827 : memref<10008x64xf32, #tpu.memory_space<vmem_shared>>)
      } else {
      }
      %get3A_597 = arith.constant 1 : i32
      %get3A_598 = arith.constant 0 : i32
      %get3A_599 = tpu.memref_slice %arg8[%get3A_597, %get3A_598] : memref<2x128xi32, #tpu.memory_space<vmem>> -> memref<1x128xi32, #tpu.memory_space<vmem>>
      %get3A_600 = tpu.memref_squeeze %get3A_599 : memref<1x128xi32, #tpu.memory_space<vmem>> -> memref<128xi32, #tpu.memory_space<vmem>>
      %get3A_601 = arith.constant 0 : index
      %get3A_602 = tpu.vector_load %get3A_600[%get3A_601] {strides = array<i32>} : memref<128xi32, #tpu.memory_space<vmem>>, vector<16xi32>,
      %get3A_603 = vector.shape_cast %get3A_602 : vector<16xi32> to vector<16xi32>
      %shift_right_arithmetic3A_604 = arith.constant 16 : i32
      %shift_right_arithmetic3A_605 = vector.broadcast %shift_right_arithmetic3A_604 : i32 to vector<16xi32>
      %shift_right_arithmetic3A_606 = arith.shrsi %get3A_603, %shift_right_arithmetic3A_605 : vector<16xi32>
      %swap3A_607 = arith.constant 1 : i32
      %swap3A_608 = arith.constant 0 : i32
      %swap3A_609 = tpu.memref_slice %arg10[%swap3A_607, %swap3A_608] : memref<2x128xi32, #tpu.memory_space<vmem>> -> memref<1x128xi32, #tpu.memory_space<vmem>>
      %swap3A_610 = tpu.memref_squeeze %swap3A_609 : memref<1x128xi32, #tpu.memory_space<vmem>> -> memref<128xi32, #tpu.memory_space<vmem>>
      %swap3A_611 = arith.constant 0 : index
      %swap3A_612 = tpu.vector_load %swap3A_610[%swap3A_611] {strides = array<i32>} : memref<128xi32, #tpu.memory_space<vmem>>, vector<16xi32>,
      %swap3A_613 = vector.shape_cast %swap3A_612 : vector<16xi32> to vector<16xi32>
      %swap3A_614 = vector.shape_cast %shift_right_arithmetic3A_606 : vector<16xi32> to vector<16xi32>
      tpu.vector_store %swap3A_610[%swap3A_611], %swap3A_614 {strides = array<i32>} : memref<128xi32, #tpu.memory_space<vmem>>, vector<16xi32>,
      %get3A_615 = arith.constant 1 : i32
      %get3A_616 = arith.constant 0 : i32
      %get3A_617 = tpu.memref_slice %arg8[%get3A_615, %get3A_616] : memref<2x128xi32, #tpu.memory_space<vmem>> -> memref<1x128xi32, #tpu.memory_space<vmem>>
      %get3A_618 = tpu.memref_squeeze %get3A_617 : memref<1x128xi32, #tpu.memory_space<vmem>> -> memref<128xi32, #tpu.memory_space<vmem>>
      %get3A_619 = arith.constant 16 : index
      %get3A_620 = tpu.vector_load %get3A_618[%get3A_619] {strides = array<i32>} : memref<128xi32, #tpu.memory_space<vmem>>, vector<16xi32>,
      %get3A_621 = vector.shape_cast %get3A_620 : vector<16xi32> to vector<16xi32>
      %shift_right_arithmetic3A_622 = arith.constant 16 : i32
      %shift_right_arithmetic3A_623 = vector.broadcast %shift_right_arithmetic3A_622 : i32 to vector<16xi32>
      %shift_right_arithmetic3A_624 = arith.shrsi %get3A_621, %shift_right_arithmetic3A_623 : vector<16xi32>
      %swap3A_625 = arith.constant 1 : i32
      %swap3A_626 = arith.constant 0 : i32
      %swap3A_627 = tpu.memref_slice %arg10[%swap3A_625, %swap3A_626] : memref<2x128xi32, #tpu.memory_space<vmem>> -> memref<1x128xi32, #tpu.memory_space<vmem>>
      %swap3A_628 = tpu.memref_squeeze %swap3A_627 : memref<1x128xi32, #tpu.memory_space<vmem>> -> memref<128xi32, #tpu.memory_space<vmem>>
      %swap3A_629 = arith.constant 16 : index
      %swap3A_630 = tpu.vector_load %swap3A_628[%swap3A_629] {strides = array<i32>} : memref<128xi32, #tpu.memory_space<vmem>>, vector<16xi32>,
      %swap3A_631 = vector.shape_cast %swap3A_630 : vector<16xi32> to vector<16xi32>
      %swap3A_632 = vector.shape_cast %shift_right_arithmetic3A_624 : vector<16xi32> to vector<16xi32>
      tpu.vector_store %swap3A_628[%swap3A_629], %swap3A_632 {strides = array<i32>} : memref<128xi32, #tpu.memory_space<vmem>>, vector<16xi32>,
      %get3A_633 = arith.constant 1 : i32
      %get3A_634 = arith.constant 0 : i32
      %get3A_635 = tpu.memref_slice %arg8[%get3A_633, %get3A_634] : memref<2x128xi32, #tpu.memory_space<vmem>> -> memref<1x128xi32, #tpu.memory_space<vmem>>
      %get3A_636 = tpu.memref_squeeze %get3A_635 : memref<1x128xi32, #tpu.memory_space<vmem>> -> memref<128xi32, #tpu.memory_space<vmem>>
      %get3A_637 = arith.constant 32 : index
      %get3A_638 = tpu.vector_load %get3A_636[%get3A_637] {strides = array<i32>} : memref<128xi32, #tpu.memory_space<vmem>>, vector<16xi32>,
      %get3A_639 = vector.shape_cast %get3A_638 : vector<16xi32> to vector<16xi32>
      %shift_right_arithmetic3A_640 = arith.constant 16 : i32
      %shift_right_arithmetic3A_641 = vector.broadcast %shift_right_arithmetic3A_640 : i32 to vector<16xi32>
      %shift_right_arithmetic3A_642 = arith.shrsi %get3A_639, %shift_right_arithmetic3A_641 : vector<16xi32>
      %swap3A_643 = arith.constant 1 : i32
      %swap3A_644 = arith.constant 0 : i32
      %swap3A_645 = tpu.memref_slice %arg10[%swap3A_643, %swap3A_644] : memref<2x128xi32, #tpu.memory_space<vmem>> -> memref<1x128xi32, #tpu.memory_space<vmem>>
      %swap3A_646 = tpu.memref_squeeze %swap3A_645 : memref<1x128xi32, #tpu.memory_space<vmem>> -> memref<128xi32, #tpu.memory_space<vmem>>
      %swap3A_647 = arith.constant 32 : index
      %swap3A_648 = tpu.vector_load %swap3A_646[%swap3A_647] {strides = array<i32>} : memref<128xi32, #tpu.memory_space<vmem>>, vector<16xi32>,
      %swap3A_649 = vector.shape_cast %swap3A_648 : vector<16xi32> to vector<16xi32>
      %swap3A_650 = vector.shape_cast %shift_right_arithmetic3A_642 : vector<16xi32> to vector<16xi32>
      tpu.vector_store %swap3A_646[%swap3A_647], %swap3A_650 {strides = array<i32>} : memref<128xi32, #tpu.memory_space<vmem>>, vector<16xi32>,
      %get3A_651 = arith.constant 1 : i32
      %get3A_652 = arith.constant 0 : i32
      %get3A_653 = tpu.memref_slice %arg8[%get3A_651, %get3A_652] : memref<2x128xi32, #tpu.memory_space<vmem>> -> memref<1x128xi32, #tpu.memory_space<vmem>>
      %get3A_654 = tpu.memref_squeeze %get3A_653 : memref<1x128xi32, #tpu.memory_space<vmem>> -> memref<128xi32, #tpu.memory_space<vmem>>
      %get3A_655 = arith.constant 48 : index
      %get3A_656 = tpu.vector_load %get3A_654[%get3A_655] {strides = array<i32>} : memref<128xi32, #tpu.memory_space<vmem>>, vector<16xi32>,
      %get3A_657 = vector.shape_cast %get3A_656 : vector<16xi32> to vector<16xi32>
      %shift_right_arithmetic3A_658 = arith.constant 16 : i32
      %shift_right_arithmetic3A_659 = vector.broadcast %shift_right_arithmetic3A_658 : i32 to vector<16xi32>
      %shift_right_arithmetic3A_660 = arith.shrsi %get3A_657, %shift_right_arithmetic3A_659 : vector<16xi32>
      %swap3A_661 = arith.constant 1 : i32
      %swap3A_662 = arith.constant 0 : i32
      %swap3A_663 = tpu.memref_slice %arg10[%swap3A_661, %swap3A_662] : memref<2x128xi32, #tpu.memory_space<vmem>> -> memref<1x128xi32, #tpu.memory_space<vmem>>
      %swap3A_664 = tpu.memref_squeeze %swap3A_663 : memref<1x128xi32, #tpu.memory_space<vmem>> -> memref<128xi32, #tpu.memory_space<vmem>>
      %swap3A_665 = arith.constant 48 : index
      %swap3A_666 = tpu.vector_load %swap3A_664[%swap3A_665] {strides = array<i32>} : memref<128xi32, #tpu.memory_space<vmem>>, vector<16xi32>,
      %swap3A_667 = vector.shape_cast %swap3A_666 : vector<16xi32> to vector<16xi32>
      %swap3A_668 = vector.shape_cast %shift_right_arithmetic3A_660 : vector<16xi32> to vector<16xi32>
      tpu.vector_store %swap3A_664[%swap3A_665], %swap3A_668 {strides = array<i32>} : memref<128xi32, #tpu.memory_space<vmem>>, vector<16xi32>,
      %get3A_669 = arith.constant 1 : i32
      %get3A_670 = arith.constant 0 : i32
      %get3A_671 = tpu.memref_slice %arg8[%get3A_669, %get3A_670] : memref<2x128xi32, #tpu.memory_space<vmem>> -> memref<1x128xi32, #tpu.memory_space<vmem>>
      %get3A_672 = tpu.memref_squeeze %get3A_671 : memref<1x128xi32, #tpu.memory_space<vmem>> -> memref<128xi32, #tpu.memory_space<vmem>>
      %get3A_673 = arith.constant 64 : index
      %get3A_674 = tpu.vector_load %get3A_672[%get3A_673] {strides = array<i32>} : memref<128xi32, #tpu.memory_space<vmem>>, vector<16xi32>,
      %get3A_675 = vector.shape_cast %get3A_674 : vector<16xi32> to vector<16xi32>
      %shift_right_arithmetic3A_676 = arith.constant 16 : i32
      %shift_right_arithmetic3A_677 = vector.broadcast %shift_right_arithmetic3A_676 : i32 to vector<16xi32>
      %shift_right_arithmetic3A_678 = arith.shrsi %get3A_675, %shift_right_arithmetic3A_677 : vector<16xi32>
      %swap3A_679 = arith.constant 1 : i32
      %swap3A_680 = arith.constant 0 : i32
      %swap3A_681 = tpu.memref_slice %arg10[%swap3A_679, %swap3A_680] : memref<2x128xi32, #tpu.memory_space<vmem>> -> memref<1x128xi32, #tpu.memory_space<vmem>>
      %swap3A_682 = tpu.memref_squeeze %swap3A_681 : memref<1x128xi32, #tpu.memory_space<vmem>> -> memref<128xi32, #tpu.memory_space<vmem>>
      %swap3A_683 = arith.constant 64 : index
      %swap3A_684 = tpu.vector_load %swap3A_682[%swap3A_683] {strides = array<i32>} : memref<128xi32, #tpu.memory_space<vmem>>, vector<16xi32>,
      %swap3A_685 = vector.shape_cast %swap3A_684 : vector<16xi32> to vector<16xi32>
      %swap3A_686 = vector.shape_cast %shift_right_arithmetic3A_678 : vector<16xi32> to vector<16xi32>
      tpu.vector_store %swap3A_682[%swap3A_683], %swap3A_686 {strides = array<i32>} : memref<128xi32, #tpu.memory_space<vmem>>, vector<16xi32>,
      %get3A_687 = arith.constant 1 : i32
      %get3A_688 = arith.constant 0 : i32
      %get3A_689 = tpu.memref_slice %arg8[%get3A_687, %get3A_688] : memref<2x128xi32, #tpu.memory_space<vmem>> -> memref<1x128xi32, #tpu.memory_space<vmem>>
      %get3A_690 = tpu.memref_squeeze %get3A_689 : memref<1x128xi32, #tpu.memory_space<vmem>> -> memref<128xi32, #tpu.memory_space<vmem>>
      %get3A_691 = arith.constant 80 : index
      %get3A_692 = tpu.vector_load %get3A_690[%get3A_691] {strides = array<i32>} : memref<128xi32, #tpu.memory_space<vmem>>, vector<16xi32>,
      %get3A_693 = vector.shape_cast %get3A_692 : vector<16xi32> to vector<16xi32>
      %shift_right_arithmetic3A_694 = arith.constant 16 : i32
      %shift_right_arithmetic3A_695 = vector.broadcast %shift_right_arithmetic3A_694 : i32 to vector<16xi32>
      %shift_right_arithmetic3A_696 = arith.shrsi %get3A_693, %shift_right_arithmetic3A_695 : vector<16xi32>
      %swap3A_697 = arith.constant 1 : i32
      %swap3A_698 = arith.constant 0 : i32
      %swap3A_699 = tpu.memref_slice %arg10[%swap3A_697, %swap3A_698] : memref<2x128xi32, #tpu.memory_space<vmem>> -> memref<1x128xi32, #tpu.memory_space<vmem>>
      %swap3A_700 = tpu.memref_squeeze %swap3A_699 : memref<1x128xi32, #tpu.memory_space<vmem>> -> memref<128xi32, #tpu.memory_space<vmem>>
      %swap3A_701 = arith.constant 80 : index
      %swap3A_702 = tpu.vector_load %swap3A_700[%swap3A_701] {strides = array<i32>} : memref<128xi32, #tpu.memory_space<vmem>>, vector<16xi32>,
      %swap3A_703 = vector.shape_cast %swap3A_702 : vector<16xi32> to vector<16xi32>
      %swap3A_704 = vector.shape_cast %shift_right_arithmetic3A_696 : vector<16xi32> to vector<16xi32>
      tpu.vector_store %swap3A_700[%swap3A_701], %swap3A_704 {strides = array<i32>} : memref<128xi32, #tpu.memory_space<vmem>>, vector<16xi32>,
      %get3A_705 = arith.constant 1 : i32
      %get3A_706 = arith.constant 0 : i32
      %get3A_707 = tpu.memref_slice %arg8[%get3A_705, %get3A_706] : memref<2x128xi32, #tpu.memory_space<vmem>> -> memref<1x128xi32, #tpu.memory_space<vmem>>
      %get3A_708 = tpu.memref_squeeze %get3A_707 : memref<1x128xi32, #tpu.memory_space<vmem>> -> memref<128xi32, #tpu.memory_space<vmem>>
      %get3A_709 = arith.constant 96 : index
      %get3A_710 = tpu.vector_load %get3A_708[%get3A_709] {strides = array<i32>} : memref<128xi32, #tpu.memory_space<vmem>>, vector<16xi32>,
      %get3A_711 = vector.shape_cast %get3A_710 : vector<16xi32> to vector<16xi32>
      %shift_right_arithmetic3A_712 = arith.constant 16 : i32
      %shift_right_arithmetic3A_713 = vector.broadcast %shift_right_arithmetic3A_712 : i32 to vector<16xi32>
      %shift_right_arithmetic3A_714 = arith.shrsi %get3A_711, %shift_right_arithmetic3A_713 : vector<16xi32>
      %swap3A_715 = arith.constant 1 : i32
      %swap3A_716 = arith.constant 0 : i32
      %swap3A_717 = tpu.memref_slice %arg10[%swap3A_715, %swap3A_716] : memref<2x128xi32, #tpu.memory_space<vmem>> -> memref<1x128xi32, #tpu.memory_space<vmem>>
      %swap3A_718 = tpu.memref_squeeze %swap3A_717 : memref<1x128xi32, #tpu.memory_space<vmem>> -> memref<128xi32, #tpu.memory_space<vmem>>
      %swap3A_719 = arith.constant 96 : index
      %swap3A_720 = tpu.vector_load %swap3A_718[%swap3A_719] {strides = array<i32>} : memref<128xi32, #tpu.memory_space<vmem>>, vector<16xi32>,
      %swap3A_721 = vector.shape_cast %swap3A_720 : vector<16xi32> to vector<16xi32>
      %swap3A_722 = vector.shape_cast %shift_right_arithmetic3A_714 : vector<16xi32> to vector<16xi32>
      tpu.vector_store %swap3A_718[%swap3A_719], %swap3A_722 {strides = array<i32>} : memref<128xi32, #tpu.memory_space<vmem>>, vector<16xi32>,
      %get3A_723 = arith.constant 1 : i32
      %get3A_724 = arith.constant 0 : i32
      %get3A_725 = tpu.memref_slice %arg8[%get3A_723, %get3A_724] : memref<2x128xi32, #tpu.memory_space<vmem>> -> memref<1x128xi32, #tpu.memory_space<vmem>>
      %get3A_726 = tpu.memref_squeeze %get3A_725 : memref<1x128xi32, #tpu.memory_space<vmem>> -> memref<128xi32, #tpu.memory_space<vmem>>
      %get3A_727 = arith.constant 112 : index
      %get3A_728 = tpu.vector_load %get3A_726[%get3A_727] {strides = array<i32>} : memref<128xi32, #tpu.memory_space<vmem>>, vector<16xi32>,
      %get3A_729 = vector.shape_cast %get3A_728 : vector<16xi32> to vector<16xi32>
      %shift_right_arithmetic3A_730 = arith.constant 16 : i32
      %shift_right_arithmetic3A_731 = vector.broadcast %shift_right_arithmetic3A_730 : i32 to vector<16xi32>
      %shift_right_arithmetic3A_732 = arith.shrsi %get3A_729, %shift_right_arithmetic3A_731 : vector<16xi32>
      %swap3A_733 = arith.constant 1 : i32
      %swap3A_734 = arith.constant 0 : i32
      %swap3A_735 = tpu.memref_slice %arg10[%swap3A_733, %swap3A_734] : memref<2x128xi32, #tpu.memory_space<vmem>> -> memref<1x128xi32, #tpu.memory_space<vmem>>
      %swap3A_736 = tpu.memref_squeeze %swap3A_735 : memref<1x128xi32, #tpu.memory_space<vmem>> -> memref<128xi32, #tpu.memory_space<vmem>>
      %swap3A_737 = arith.constant 112 : index
      %swap3A_738 = tpu.vector_load %swap3A_736[%swap3A_737] {strides = array<i32>} : memref<128xi32, #tpu.memory_space<vmem>>, vector<16xi32>,
      %swap3A_739 = vector.shape_cast %swap3A_738 : vector<16xi32> to vector<16xi32>
      %swap3A_740 = vector.shape_cast %shift_right_arithmetic3A_732 : vector<16xi32> to vector<16xi32>
      tpu.vector_store %swap3A_736[%swap3A_737], %swap3A_740 {strides = array<i32>} : memref<128xi32, #tpu.memory_space<vmem>>, vector<16xi32>,
      %convert_element_type3A_741 = arith.extui %lt3A_559 : i1 to i32
      %cond3A_742 = arith.constant 0 : i32
      %cond3A_743 = arith.cmpi ne, %convert_element_type3A_741, %cond3A_742 : i32
      scf.if %cond3A_743 {
        %add3A_815 = arith.constant 2 : i32
        %add3A_816 = arith.addi %add3A_558, %add3A_815 : i32
        %dma_start3A_817 = arith.constant 1 : i32
        %dma_start3A_818 = arith.constant 1 : i32
        %dma_start3A_819 = arith.constant 0 : i32
        %dma_start3A_820 = tpu.memref_slice %arg8[%dma_start3A_817, %dma_start3A_819] : memref<2x128xi32, #tpu.memory_space<vmem>> -> memref<1x128xi32, #tpu.memory_space<vmem>>
        %dma_start3A_821 = tpu.memref_squeeze %dma_start3A_820 : memref<1x128xi32, #tpu.memory_space<vmem>> -> memref<128xi32, #tpu.memory_space<vmem>>
        %dma_start3A_822 = arith.constant 0 : i32
        %dma_start3A_823 = tpu.memref_slice %arg3[%arg1, %add3A_816, %dma_start3A_822] : memref<16x158x128xi32, #tpu.memory_space<hbm>> -> memref<1x1x128xi32, #tpu.memory_space<hbm>>
        %dma_start3A_824 = tpu.memref_squeeze %dma_start3A_823 : memref<1x1x128xi32, #tpu.memory_space<hbm>> -> memref<128xi32, #tpu.memory_space<hbm>>
        %dma_start3A_825 = tpu.memref_slice %arg12[%dma_start3A_818] : memref<2x!tpu.dma_semaphore, #tpu.memory_space<semaphore_mem>> -> memref<1x!tpu.dma_semaphore, #tpu.memory_space<semaphore_mem>>
        %dma_start3A_826 = tpu.memref_squeeze %dma_start3A_825 : memref<1x!tpu.dma_semaphore, #tpu.memory_space<semaphore_mem>> -> memref<!tpu.dma_semaphore, #tpu.memory_space<semaphore_mem>>
        %dma_start3A_827 = arith.constant 0 : i32
        %dma_start3A_828 = tpu.memref_slice %arg8[%dma_start3A_817, %dma_start3A_827] : memref<2x128xi32, #tpu.memory_space<vmem>> -> memref<1x128xi32, #tpu.memory_space<vmem>>
        %dma_start3A_829 = tpu.memref_squeeze %dma_start3A_828 : memref<1x128xi32, #tpu.memory_space<vmem>> -> memref<128xi32, #tpu.memory_space<vmem>>
        %dma_start3A_830 = arith.constant 0 : i32
        %dma_start3A_831 = tpu.memref_slice %arg3[%arg1, %add3A_816, %dma_start3A_830] : memref<16x158x128xi32, #tpu.memory_space<hbm>> -> memref<1x1x128xi32, #tpu.memory_space<hbm>>
        %dma_start3A_832 = tpu.memref_squeeze %dma_start3A_831 : memref<1x1x128xi32, #tpu.memory_space<hbm>> -> memref<128xi32, #tpu.memory_space<hbm>>
        tpu.enqueue_dma source(%dma_start3A_832 : memref<128xi32, #tpu.memory_space<hbm>>) target(%dma_start3A_829 : memref<128xi32, #tpu.memory_space<vmem>>) target_semaphore(%dma_start3A_826 : memref<!tpu.dma_semaphore, #tpu.memory_space<semaphore_mem>>)
      } else {
      }
      %dma_start3A_744 = arith.constant 1 : i32
      %dma_start3A_745 = arith.constant 1 : i32
      %dma_start3A_746 = arith.constant 1 : i32
      %dma_start3A_747 = arith.constant 0 : i32
      %dma_start3A_748 = arith.constant 0 : i32
      %dma_start3A_749 = tpu.memref_slice %arg11[%dma_start3A_745, %dma_start3A_747, %dma_start3A_748] : memref<2x128x64xf32, #tpu.memory_space<vmem>> -> memref<1x128x64xf32, #tpu.memory_space<vmem>>
      %dma_start3A_750 = tpu.memref_squeeze %dma_start3A_749 : memref<1x128x64xf32, #tpu.memory_space<vmem>> -> memref<128x64xf32, #tpu.memory_space<vmem>>
      %dma_start3A_751 = arith.constant 0 : i32
      %dma_start3A_752 = tpu.memref_slice %arg9[%dma_start3A_744, %dma_start3A_751] : memref<2x128xi32, #tpu.memory_space<vmem>> -> memref<1x128xi32, #tpu.memory_space<vmem>>
      %dma_start3A_753 = tpu.memref_squeeze %dma_start3A_752 : memref<1x128xi32, #tpu.memory_space<vmem>> -> memref<128xi32, #tpu.memory_space<vmem>>
      %dma_start3A_754 = arith.constant 0 : i32
      %dma_start3A_755 = arith.constant 0 : i32
      %dma_start3A_756 = tpu.memref_slice %arg6[%dma_start3A_754, %dma_start3A_755] : memref<10008x64xf32, #tpu.memory_space<vmem_shared>> -> memref<10008x64xf32, #tpu.memory_space<vmem_shared>>
      %dma_start3A_757 = tpu.memref_slice %arg13[%dma_start3A_746] : memref<2x!tpu.dma_semaphore, #tpu.memory_space<semaphore_mem>> -> memref<1x!tpu.dma_semaphore, #tpu.memory_space<semaphore_mem>>
      %dma_start3A_758 = tpu.memref_squeeze %dma_start3A_757 : memref<1x!tpu.dma_semaphore, #tpu.memory_space<semaphore_mem>> -> memref<!tpu.dma_semaphore, #tpu.memory_space<semaphore_mem>>
      tpu.enqueue_indirect_dma source(%dma_start3A_756 : memref<10008x64xf32, #tpu.memory_space<vmem_shared>>) target(%dma_start3A_750 : memref<128x64xf32, #tpu.memory_space<vmem>>) offsets(%dma_start3A_753 : memref<128xi32, #tpu.memory_space<vmem>>) semaphore(%dma_start3A_758 : memref<!tpu.dma_semaphore, #tpu.memory_space<semaphore_mem>>)
      %dma_wait3A_759 = arith.constant 1 : i32
      %dma_wait3A_760 = arith.constant 1 : i32
      %dma_wait3A_761 = arith.constant 1 : i32
      %dma_wait3A_762 = arith.constant 0 : i32
      %dma_wait3A_763 = arith.constant 0 : i32
      %dma_wait3A_764 = tpu.memref_slice %arg11[%dma_wait3A_760, %dma_wait3A_762, %dma_wait3A_763] : memref<2x128x64xf32, #tpu.memory_space<vmem>> -> memref<1x128x64xf32, #tpu.memory_space<vmem>>
      %dma_wait3A_765 = tpu.memref_squeeze %dma_wait3A_764 : memref<1x128x64xf32, #tpu.memory_space<vmem>> -> memref<128x64xf32, #tpu.memory_space<vmem>>
      %dma_wait3A_766 = arith.constant 0 : i32
      %dma_wait3A_767 = tpu.memref_slice %arg9[%dma_wait3A_759, %dma_wait3A_766] : memref<2x128xi32, #tpu.memory_space<vmem>> -> memref<1x128xi32, #tpu.memory_space<vmem>>
      %dma_wait3A_768 = tpu.memref_squeeze %dma_wait3A_767 : memref<1x128xi32, #tpu.memory_space<vmem>> -> memref<128xi32, #tpu.memory_space<vmem>>
      %dma_wait3A_769 = arith.constant 0 : i32
      %dma_wait3A_770 = arith.constant 0 : i32
      %dma_wait3A_771 = tpu.memref_slice %arg6[%dma_wait3A_769, %dma_wait3A_770] : memref<10008x64xf32, #tpu.memory_space<vmem_shared>> -> memref<10008x64xf32, #tpu.memory_space<vmem_shared>>
      %dma_wait3A_772 = tpu.memref_slice %arg13[%dma_wait3A_761] : memref<2x!tpu.dma_semaphore, #tpu.memory_space<semaphore_mem>> -> memref<1x!tpu.dma_semaphore, #tpu.memory_space<semaphore_mem>>
      %dma_wait3A_773 = tpu.memref_squeeze %dma_wait3A_772 : memref<1x!tpu.dma_semaphore, #tpu.memory_space<semaphore_mem>> -> memref<!tpu.dma_semaphore, #tpu.memory_space<semaphore_mem>>
      tpu.wait_indirect_dma semaphore(%dma_wait3A_773 : memref<!tpu.dma_semaphore, #tpu.memory_space<semaphore_mem>>) src(%dma_wait3A_771 : memref<10008x64xf32, #tpu.memory_space<vmem_shared>>) dst(%dma_wait3A_765 : memref<128x64xf32, #tpu.memory_space<vmem>>)
      %dma_start3A_774 = arith.constant 1 : i32
      %dma_start3A_775 = arith.constant 1 : i32
      %dma_start3A_776 = arith.constant 1 : i32
      %dma_start3A_777 = arith.constant 0 : i32
      %dma_start3A_778 = arith.constant 0 : i32
      %dma_start3A_779 = tpu.memref_slice %arg11[%dma_start3A_774, %dma_start3A_777, %dma_start3A_778] : memref<2x128x64xf32, #tpu.memory_space<vmem>> -> memref<1x128x64xf32, #tpu.memory_space<vmem>>
      %dma_start3A_780 = tpu.memref_squeeze %dma_start3A_779 : memref<1x128x64xf32, #tpu.memory_space<vmem>> -> memref<128x64xf32, #tpu.memory_space<vmem>>
      %dma_start3A_781 = arith.constant 0 : i32
      %dma_start3A_782 = tpu.memref_slice %arg10[%dma_start3A_775, %dma_start3A_781] : memref<2x128xi32, #tpu.memory_space<vmem>> -> memref<1x128xi32, #tpu.memory_space<vmem>>
      %dma_start3A_783 = tpu.memref_squeeze %dma_start3A_782 : memref<1x128xi32, #tpu.memory_space<vmem>> -> memref<128xi32, #tpu.memory_space<vmem>>
      %dma_start3A_784 = arith.constant 0 : i32
      %dma_start3A_785 = arith.constant 0 : i32
      %dma_start3A_786 = tpu.memref_slice %arg7[%dma_start3A_784, %dma_start3A_785] : memref<10008x64xf32, #tpu.memory_space<vmem_shared>> -> memref<10008x64xf32, #tpu.memory_space<vmem_shared>>
      %dma_start3A_787 = tpu.memref_slice %arg14[%dma_start3A_776] : memref<2x!tpu.dma_semaphore, #tpu.memory_space<semaphore_mem>> -> memref<1x!tpu.dma_semaphore, #tpu.memory_space<semaphore_mem>>
      %dma_start3A_788 = tpu.memref_squeeze %dma_start3A_787 : memref<1x!tpu.dma_semaphore, #tpu.memory_space<semaphore_mem>> -> memref<!tpu.dma_semaphore, #tpu.memory_space<semaphore_mem>>
      tpu.enqueue_indirect_dma source(%dma_start3A_780 : memref<128x64xf32, #tpu.memory_space<vmem>>) target(%dma_start3A_786 : memref<10008x64xf32, #tpu.memory_space<vmem_shared>>) offsets(%dma_start3A_783 : memref<128xi32, #tpu.memory_space<vmem>>) semaphore(%dma_start3A_788 : memref<!tpu.dma_semaphore, #tpu.memory_space<semaphore_mem>>) {add = true}
      %convert_element_type3A_789 = arith.extui %lt3A_559 : i1 to i32
      %cond3A_790 = arith.constant 0 : i32
      %cond3A_791 = arith.cmpi ne, %convert_element_type3A_789, %cond3A_790 : i32
      scf.if %cond3A_791 {
        %add3A_815 = arith.constant 2 : i32
        %add3A_816 = arith.addi %add3A_558, %add3A_815 : i32
        %dma_wait3A_817 = arith.constant 1 : i32
        %dma_wait3A_818 = arith.constant 1 : i32
        %dma_wait3A_819 = arith.constant 0 : i32
        %dma_wait3A_820 = tpu.memref_slice %arg8[%dma_wait3A_817, %dma_wait3A_819] : memref<2x128xi32, #tpu.memory_space<vmem>> -> memref<1x128xi32, #tpu.memory_space<vmem>>
        %dma_wait3A_821 = tpu.memref_squeeze %dma_wait3A_820 : memref<1x128xi32, #tpu.memory_space<vmem>> -> memref<128xi32, #tpu.memory_space<vmem>>
        %dma_wait3A_822 = arith.constant 0 : i32
        %dma_wait3A_823 = tpu.memref_slice %arg3[%arg1, %add3A_816, %dma_wait3A_822] : memref<16x158x128xi32, #tpu.memory_space<hbm>> -> memref<1x1x128xi32, #tpu.memory_space<hbm>>
        %dma_wait3A_824 = tpu.memref_squeeze %dma_wait3A_823 : memref<1x1x128xi32, #tpu.memory_space<hbm>> -> memref<128xi32, #tpu.memory_space<hbm>>
        %dma_wait3A_825 = tpu.memref_slice %arg12[%dma_wait3A_818] : memref<2x!tpu.dma_semaphore, #tpu.memory_space<semaphore_mem>> -> memref<1x!tpu.dma_semaphore, #tpu.memory_space<semaphore_mem>>
        %dma_wait3A_826 = tpu.memref_squeeze %dma_wait3A_825 : memref<1x!tpu.dma_semaphore, #tpu.memory_space<semaphore_mem>> -> memref<!tpu.dma_semaphore, #tpu.memory_space<semaphore_mem>>
        %dma_wait3A_827 = arith.constant 0 : i32
        %dma_wait3A_828 = tpu.memref_slice %arg8[%dma_wait3A_817, %dma_wait3A_827] : memref<2x128xi32, #tpu.memory_space<vmem>> -> memref<1x128xi32, #tpu.memory_space<vmem>>
        %dma_wait3A_829 = tpu.memref_squeeze %dma_wait3A_828 : memref<1x128xi32, #tpu.memory_space<vmem>> -> memref<128xi32, #tpu.memory_space<vmem>>
        %dma_wait3A_830 = arith.constant 0 : i32
        %dma_wait3A_831 = tpu.memref_slice %arg3[%arg1, %add3A_816, %dma_wait3A_830] : memref<16x158x128xi32, #tpu.memory_space<hbm>> -> memref<1x1x128xi32, #tpu.memory_space<hbm>>
        %dma_wait3A_832 = tpu.memref_squeeze %dma_wait3A_831 : memref<1x1x128xi32, #tpu.memory_space<hbm>> -> memref<128xi32, #tpu.memory_space<hbm>>
        tpu.wait_dma2 semaphore(%dma_wait3A_826 : memref<!tpu.dma_semaphore, #tpu.memory_space<semaphore_mem>>) src(%dma_wait3A_832 : memref<128xi32, #tpu.memory_space<hbm>>) dst(%dma_wait3A_829 : memref<128xi32, #tpu.memory_space<vmem>>)
        %get3A_833 = arith.constant 1 : i32
        %get3A_834 = arith.constant 0 : i32
        %get3A_835 = tpu.memref_slice %arg8[%get3A_833, %get3A_834] : memref<2x128xi32, #tpu.memory_space<vmem>> -> memref<1x128xi32, #tpu.memory_space<vmem>>
        %get3A_836 = tpu.memref_squeeze %get3A_835 : memref<1x128xi32, #tpu.memory_space<vmem>> -> memref<128xi32, #tpu.memory_space<vmem>>
        %get3A_837 = arith.constant 0 : index
        %get3A_838 = tpu.vector_load %get3A_836[%get3A_837] {strides = array<i32>} : memref<128xi32, #tpu.memory_space<vmem>>, vector<16xi32>,
        %get3A_839 = vector.shape_cast %get3A_838 : vector<16xi32> to vector<16xi32>
        %and3A_840 = arith.constant 65535 : i32
        %and3A_841 = vector.broadcast %and3A_840 : i32 to vector<16xi32>
        %and3A_842 = arith.andi %get3A_839, %and3A_841 : vector<16xi32>
        %swap3A_843 = arith.constant 1 : i32
        %swap3A_844 = arith.constant 0 : i32
        %swap3A_845 = tpu.memref_slice %arg9[%swap3A_843, %swap3A_844] : memref<2x128xi32, #tpu.memory_space<vmem>> -> memref<1x128xi32, #tpu.memory_space<vmem>>
        %swap3A_846 = tpu.memref_squeeze %swap3A_845 : memref<1x128xi32, #tpu.memory_space<vmem>> -> memref<128xi32, #tpu.memory_space<vmem>>
        %swap3A_847 = arith.constant 0 : index
        %swap3A_848 = tpu.vector_load %swap3A_846[%swap3A_847] {strides = array<i32>} : memref<128xi32, #tpu.memory_space<vmem>>, vector<16xi32>,
        %swap3A_849 = vector.shape_cast %swap3A_848 : vector<16xi32> to vector<16xi32>
        %swap3A_850 = vector.shape_cast %and3A_842 : vector<16xi32> to vector<16xi32>
        tpu.vector_store %swap3A_846[%swap3A_847], %swap3A_850 {strides = array<i32>} : memref<128xi32, #tpu.memory_space<vmem>>, vector<16xi32>,
        %get3A_851 = arith.constant 1 : i32
        %get3A_852 = arith.constant 0 : i32
        %get3A_853 = tpu.memref_slice %arg8[%get3A_851, %get3A_852] : memref<2x128xi32, #tpu.memory_space<vmem>> -> memref<1x128xi32, #tpu.memory_space<vmem>>
        %get3A_854 = tpu.memref_squeeze %get3A_853 : memref<1x128xi32, #tpu.memory_space<vmem>> -> memref<128xi32, #tpu.memory_space<vmem>>
        %get3A_855 = arith.constant 16 : index
        %get3A_856 = tpu.vector_load %get3A_854[%get3A_855] {strides = array<i32>} : memref<128xi32, #tpu.memory_space<vmem>>, vector<16xi32>,
        %get3A_857 = vector.shape_cast %get3A_856 : vector<16xi32> to vector<16xi32>
        %and3A_858 = arith.constant 65535 : i32
        %and3A_859 = vector.broadcast %and3A_858 : i32 to vector<16xi32>
        %and3A_860 = arith.andi %get3A_857, %and3A_859 : vector<16xi32>
        %swap3A_861 = arith.constant 1 : i32
        %swap3A_862 = arith.constant 0 : i32
        %swap3A_863 = tpu.memref_slice %arg9[%swap3A_861, %swap3A_862] : memref<2x128xi32, #tpu.memory_space<vmem>> -> memref<1x128xi32, #tpu.memory_space<vmem>>
        %swap3A_864 = tpu.memref_squeeze %swap3A_863 : memref<1x128xi32, #tpu.memory_space<vmem>> -> memref<128xi32, #tpu.memory_space<vmem>>
        %swap3A_865 = arith.constant 16 : index
        %swap3A_866 = tpu.vector_load %swap3A_864[%swap3A_865] {strides = array<i32>} : memref<128xi32, #tpu.memory_space<vmem>>, vector<16xi32>,
        %swap3A_867 = vector.shape_cast %swap3A_866 : vector<16xi32> to vector<16xi32>
        %swap3A_868 = vector.shape_cast %and3A_860 : vector<16xi32> to vector<16xi32>
        tpu.vector_store %swap3A_864[%swap3A_865], %swap3A_868 {strides = array<i32>} : memref<128xi32, #tpu.memory_space<vmem>>, vector<16xi32>,
        %get3A_869 = arith.constant 1 : i32
        %get3A_870 = arith.constant 0 : i32
        %get3A_871 = tpu.memref_slice %arg8[%get3A_869, %get3A_870] : memref<2x128xi32, #tpu.memory_space<vmem>> -> memref<1x128xi32, #tpu.memory_space<vmem>>
        %get3A_872 = tpu.memref_squeeze %get3A_871 : memref<1x128xi32, #tpu.memory_space<vmem>> -> memref<128xi32, #tpu.memory_space<vmem>>
        %get3A_873 = arith.constant 32 : index
        %get3A_874 = tpu.vector_load %get3A_872[%get3A_873] {strides = array<i32>} : memref<128xi32, #tpu.memory_space<vmem>>, vector<16xi32>,
        %get3A_875 = vector.shape_cast %get3A_874 : vector<16xi32> to vector<16xi32>
        %and3A_876 = arith.constant 65535 : i32
        %and3A_877 = vector.broadcast %and3A_876 : i32 to vector<16xi32>
        %and3A_878 = arith.andi %get3A_875, %and3A_877 : vector<16xi32>
        %swap3A_879 = arith.constant 1 : i32
        %swap3A_880 = arith.constant 0 : i32
        %swap3A_881 = tpu.memref_slice %arg9[%swap3A_879, %swap3A_880] : memref<2x128xi32, #tpu.memory_space<vmem>> -> memref<1x128xi32, #tpu.memory_space<vmem>>
        %swap3A_882 = tpu.memref_squeeze %swap3A_881 : memref<1x128xi32, #tpu.memory_space<vmem>> -> memref<128xi32, #tpu.memory_space<vmem>>
        %swap3A_883 = arith.constant 32 : index
        %swap3A_884 = tpu.vector_load %swap3A_882[%swap3A_883] {strides = array<i32>} : memref<128xi32, #tpu.memory_space<vmem>>, vector<16xi32>,
        %swap3A_885 = vector.shape_cast %swap3A_884 : vector<16xi32> to vector<16xi32>
        %swap3A_886 = vector.shape_cast %and3A_878 : vector<16xi32> to vector<16xi32>
        tpu.vector_store %swap3A_882[%swap3A_883], %swap3A_886 {strides = array<i32>} : memref<128xi32, #tpu.memory_space<vmem>>, vector<16xi32>,
        %get3A_887 = arith.constant 1 : i32
        %get3A_888 = arith.constant 0 : i32
        %get3A_889 = tpu.memref_slice %arg8[%get3A_887, %get3A_888] : memref<2x128xi32, #tpu.memory_space<vmem>> -> memref<1x128xi32, #tpu.memory_space<vmem>>
        %get3A_890 = tpu.memref_squeeze %get3A_889 : memref<1x128xi32, #tpu.memory_space<vmem>> -> memref<128xi32, #tpu.memory_space<vmem>>
        %get3A_891 = arith.constant 48 : index
        %get3A_892 = tpu.vector_load %get3A_890[%get3A_891] {strides = array<i32>} : memref<128xi32, #tpu.memory_space<vmem>>, vector<16xi32>,
        %get3A_893 = vector.shape_cast %get3A_892 : vector<16xi32> to vector<16xi32>
        %and3A_894 = arith.constant 65535 : i32
        %and3A_895 = vector.broadcast %and3A_894 : i32 to vector<16xi32>
        %and3A_896 = arith.andi %get3A_893, %and3A_895 : vector<16xi32>
        %swap3A_897 = arith.constant 1 : i32
        %swap3A_898 = arith.constant 0 : i32
        %swap3A_899 = tpu.memref_slice %arg9[%swap3A_897, %swap3A_898] : memref<2x128xi32, #tpu.memory_space<vmem>> -> memref<1x128xi32, #tpu.memory_space<vmem>>
        %swap3A_900 = tpu.memref_squeeze %swap3A_899 : memref<1x128xi32, #tpu.memory_space<vmem>> -> memref<128xi32, #tpu.memory_space<vmem>>
        %swap3A_901 = arith.constant 48 : index
        %swap3A_902 = tpu.vector_load %swap3A_900[%swap3A_901] {strides = array<i32>} : memref<128xi32, #tpu.memory_space<vmem>>, vector<16xi32>,
        %swap3A_903 = vector.shape_cast %swap3A_902 : vector<16xi32> to vector<16xi32>
        %swap3A_904 = vector.shape_cast %and3A_896 : vector<16xi32> to vector<16xi32>
        tpu.vector_store %swap3A_900[%swap3A_901], %swap3A_904 {strides = array<i32>} : memref<128xi32, #tpu.memory_space<vmem>>, vector<16xi32>,
        %get3A_905 = arith.constant 1 : i32
        %get3A_906 = arith.constant 0 : i32
        %get3A_907 = tpu.memref_slice %arg8[%get3A_905, %get3A_906] : memref<2x128xi32, #tpu.memory_space<vmem>> -> memref<1x128xi32, #tpu.memory_space<vmem>>
        %get3A_908 = tpu.memref_squeeze %get3A_907 : memref<1x128xi32, #tpu.memory_space<vmem>> -> memref<128xi32, #tpu.memory_space<vmem>>
        %get3A_909 = arith.constant 64 : index
        %get3A_910 = tpu.vector_load %get3A_908[%get3A_909] {strides = array<i32>} : memref<128xi32, #tpu.memory_space<vmem>>, vector<16xi32>,
        %get3A_911 = vector.shape_cast %get3A_910 : vector<16xi32> to vector<16xi32>
        %and3A_912 = arith.constant 65535 : i32
        %and3A_913 = vector.broadcast %and3A_912 : i32 to vector<16xi32>
        %and3A_914 = arith.andi %get3A_911, %and3A_913 : vector<16xi32>
        %swap3A_915 = arith.constant 1 : i32
        %swap3A_916 = arith.constant 0 : i32
        %swap3A_917 = tpu.memref_slice %arg9[%swap3A_915, %swap3A_916] : memref<2x128xi32, #tpu.memory_space<vmem>> -> memref<1x128xi32, #tpu.memory_space<vmem>>
        %swap3A_918 = tpu.memref_squeeze %swap3A_917 : memref<1x128xi32, #tpu.memory_space<vmem>> -> memref<128xi32, #tpu.memory_space<vmem>>
        %swap3A_919 = arith.constant 64 : index
        %swap3A_920 = tpu.vector_load %swap3A_918[%swap3A_919] {strides = array<i32>} : memref<128xi32, #tpu.memory_space<vmem>>, vector<16xi32>,
        %swap3A_921 = vector.shape_cast %swap3A_920 : vector<16xi32> to vector<16xi32>
        %swap3A_922 = vector.shape_cast %and3A_914 : vector<16xi32> to vector<16xi32>
        tpu.vector_store %swap3A_918[%swap3A_919], %swap3A_922 {strides = array<i32>} : memref<128xi32, #tpu.memory_space<vmem>>, vector<16xi32>,
        %get3A_923 = arith.constant 1 : i32
        %get3A_924 = arith.constant 0 : i32
        %get3A_925 = tpu.memref_slice %arg8[%get3A_923, %get3A_924] : memref<2x128xi32, #tpu.memory_space<vmem>> -> memref<1x128xi32, #tpu.memory_space<vmem>>
        %get3A_926 = tpu.memref_squeeze %get3A_925 : memref<1x128xi32, #tpu.memory_space<vmem>> -> memref<128xi32, #tpu.memory_space<vmem>>
        %get3A_927 = arith.constant 80 : index
        %get3A_928 = tpu.vector_load %get3A_926[%get3A_927] {strides = array<i32>} : memref<128xi32, #tpu.memory_space<vmem>>, vector<16xi32>,
        %get3A_929 = vector.shape_cast %get3A_928 : vector<16xi32> to vector<16xi32>
        %and3A_930 = arith.constant 65535 : i32
        %and3A_931 = vector.broadcast %and3A_930 : i32 to vector<16xi32>
        %and3A_932 = arith.andi %get3A_929, %and3A_931 : vector<16xi32>
        %swap3A_933 = arith.constant 1 : i32
        %swap3A_934 = arith.constant 0 : i32
        %swap3A_935 = tpu.memref_slice %arg9[%swap3A_933, %swap3A_934] : memref<2x128xi32, #tpu.memory_space<vmem>> -> memref<1x128xi32, #tpu.memory_space<vmem>>
        %swap3A_936 = tpu.memref_squeeze %swap3A_935 : memref<1x128xi32, #tpu.memory_space<vmem>> -> memref<128xi32, #tpu.memory_space<vmem>>
        %swap3A_937 = arith.constant 80 : index
        %swap3A_938 = tpu.vector_load %swap3A_936[%swap3A_937] {strides = array<i32>} : memref<128xi32, #tpu.memory_space<vmem>>, vector<16xi32>,
        %swap3A_939 = vector.shape_cast %swap3A_938 : vector<16xi32> to vector<16xi32>
        %swap3A_940 = vector.shape_cast %and3A_932 : vector<16xi32> to vector<16xi32>
        tpu.vector_store %swap3A_936[%swap3A_937], %swap3A_940 {strides = array<i32>} : memref<128xi32, #tpu.memory_space<vmem>>, vector<16xi32>,
        %get3A_941 = arith.constant 1 : i32
        %get3A_942 = arith.constant 0 : i32
        %get3A_943 = tpu.memref_slice %arg8[%get3A_941, %get3A_942] : memref<2x128xi32, #tpu.memory_space<vmem>> -> memref<1x128xi32, #tpu.memory_space<vmem>>
        %get3A_944 = tpu.memref_squeeze %get3A_943 : memref<1x128xi32, #tpu.memory_space<vmem>> -> memref<128xi32, #tpu.memory_space<vmem>>
        %get3A_945 = arith.constant 96 : index
        %get3A_946 = tpu.vector_load %get3A_944[%get3A_945] {strides = array<i32>} : memref<128xi32, #tpu.memory_space<vmem>>, vector<16xi32>,
        %get3A_947 = vector.shape_cast %get3A_946 : vector<16xi32> to vector<16xi32>
        %and3A_948 = arith.constant 65535 : i32
        %and3A_949 = vector.broadcast %and3A_948 : i32 to vector<16xi32>
        %and3A_950 = arith.andi %get3A_947, %and3A_949 : vector<16xi32>
        %swap3A_951 = arith.constant 1 : i32
        %swap3A_952 = arith.constant 0 : i32
        %swap3A_953 = tpu.memref_slice %arg9[%swap3A_951, %swap3A_952] : memref<2x128xi32, #tpu.memory_space<vmem>> -> memref<1x128xi32, #tpu.memory_space<vmem>>
        %swap3A_954 = tpu.memref_squeeze %swap3A_953 : memref<1x128xi32, #tpu.memory_space<vmem>> -> memref<128xi32, #tpu.memory_space<vmem>>
        %swap3A_955 = arith.constant 96 : index
        %swap3A_956 = tpu.vector_load %swap3A_954[%swap3A_955] {strides = array<i32>} : memref<128xi32, #tpu.memory_space<vmem>>, vector<16xi32>,
        %swap3A_957 = vector.shape_cast %swap3A_956 : vector<16xi32> to vector<16xi32>
        %swap3A_958 = vector.shape_cast %and3A_950 : vector<16xi32> to vector<16xi32>
        tpu.vector_store %swap3A_954[%swap3A_955], %swap3A_958 {strides = array<i32>} : memref<128xi32, #tpu.memory_space<vmem>>, vector<16xi32>,
        %get3A_959 = arith.constant 1 : i32
        %get3A_960 = arith.constant 0 : i32
        %get3A_961 = tpu.memref_slice %arg8[%get3A_959, %get3A_960] : memref<2x128xi32, #tpu.memory_space<vmem>> -> memref<1x128xi32, #tpu.memory_space<vmem>>
        %get3A_962 = tpu.memref_squeeze %get3A_961 : memref<1x128xi32, #tpu.memory_space<vmem>> -> memref<128xi32, #tpu.memory_space<vmem>>
        %get3A_963 = arith.constant 112 : index
        %get3A_964 = tpu.vector_load %get3A_962[%get3A_963] {strides = array<i32>} : memref<128xi32, #tpu.memory_space<vmem>>, vector<16xi32>,
        %get3A_965 = vector.shape_cast %get3A_964 : vector<16xi32> to vector<16xi32>
        %and3A_966 = arith.constant 65535 : i32
        %and3A_967 = vector.broadcast %and3A_966 : i32 to vector<16xi32>
        %and3A_968 = arith.andi %get3A_965, %and3A_967 : vector<16xi32>
        %swap3A_969 = arith.constant 1 : i32
        %swap3A_970 = arith.constant 0 : i32
        %swap3A_971 = tpu.memref_slice %arg9[%swap3A_969, %swap3A_970] : memref<2x128xi32, #tpu.memory_space<vmem>> -> memref<1x128xi32, #tpu.memory_space<vmem>>
        %swap3A_972 = tpu.memref_squeeze %swap3A_971 : memref<1x128xi32, #tpu.memory_space<vmem>> -> memref<128xi32, #tpu.memory_space<vmem>>
        %swap3A_973 = arith.constant 112 : index
        %swap3A_974 = tpu.vector_load %swap3A_972[%swap3A_973] {strides = array<i32>} : memref<128xi32, #tpu.memory_space<vmem>>, vector<16xi32>,
        %swap3A_975 = vector.shape_cast %swap3A_974 : vector<16xi32> to vector<16xi32>
        %swap3A_976 = vector.shape_cast %and3A_968 : vector<16xi32> to vector<16xi32>
        tpu.vector_store %swap3A_972[%swap3A_973], %swap3A_976 {strides = array<i32>} : memref<128xi32, #tpu.memory_space<vmem>>, vector<16xi32>,
      } else {
      }
      %dma_wait3A_792 = arith.constant 0 : i32
      %dma_wait3A_793 = arith.constant 0 : i32
      %dma_wait3A_794 = arith.constant 0 : i32
      %dma_wait3A_795 = arith.constant 0 : i32
      %dma_wait3A_796 = arith.constant 0 : i32
      %dma_wait3A_797 = tpu.memref_slice %arg11[%dma_wait3A_792, %dma_wait3A_795, %dma_wait3A_796] : memref<2x128x64xf32, #tpu.memory_space<vmem>> -> memref<1x128x64xf32, #tpu.memory_space<vmem>>
      %dma_wait3A_798 = tpu.memref_squeeze %dma_wait3A_797 : memref<1x128x64xf32, #tpu.memory_space<vmem>> -> memref<128x64xf32, #tpu.memory_space<vmem>>
      %dma_wait3A_799 = arith.constant 0 : i32
      %dma_wait3A_800 = tpu.memref_slice %arg10[%dma_wait3A_793, %dma_wait3A_799] : memref<2x128xi32, #tpu.memory_space<vmem>> -> memref<1x128xi32, #tpu.memory_space<vmem>>
      %dma_wait3A_801 = tpu.memref_squeeze %dma_wait3A_800 : memref<1x128xi32, #tpu.memory_space<vmem>> -> memref<128xi32, #tpu.memory_space<vmem>>
      %dma_wait3A_802 = arith.constant 0 : i32
      %dma_wait3A_803 = arith.constant 0 : i32
      %dma_wait3A_804 = tpu.memref_slice %arg7[%dma_wait3A_802, %dma_wait3A_803] : memref<10008x64xf32, #tpu.memory_space<vmem_shared>> -> memref<10008x64xf32, #tpu.memory_space<vmem_shared>>
      %dma_wait3A_805 = tpu.memref_slice %arg14[%dma_wait3A_794] : memref<2x!tpu.dma_semaphore, #tpu.memory_space<semaphore_mem>> -> memref<1x!tpu.dma_semaphore, #tpu.memory_space<semaphore_mem>>
      %dma_wait3A_806 = tpu.memref_squeeze %dma_wait3A_805 : memref<1x!tpu.dma_semaphore, #tpu.memory_space<semaphore_mem>> -> memref<!tpu.dma_semaphore, #tpu.memory_space<semaphore_mem>>
      tpu.wait_indirect_dma semaphore(%dma_wait3A_806 : memref<!tpu.dma_semaphore, #tpu.memory_space<semaphore_mem>>) src(%dma_wait3A_798 : memref<128x64xf32, #tpu.memory_space<vmem>>) dst(%dma_wait3A_804 : memref<10008x64xf32, #tpu.memory_space<vmem_shared>>)
      %convert_element_type3A_807 = arith.extui %lt3A_559 : i1 to i32
      %cond3A_808 = arith.constant 0 : i32
      %cond3A_809 = arith.cmpi ne, %convert_element_type3A_807, %cond3A_808 : i32
      scf.if %cond3A_809 {
        %get3A_815 = arith.constant 0 : i32
        %get3A_816 = arith.constant 0 : i32
        %get3A_817 = tpu.memref_slice %arg8[%get3A_815, %get3A_816] : memref<2x128xi32, #tpu.memory_space<vmem>> -> memref<1x128xi32, #tpu.memory_space<vmem>>
        %get3A_818 = tpu.memref_squeeze %get3A_817 : memref<1x128xi32, #tpu.memory_space<vmem>> -> memref<128xi32, #tpu.memory_space<vmem>>
        %get3A_819 = arith.constant 0 : index
        %get3A_820 = tpu.vector_load %get3A_818[%get3A_819] {strides = array<i32>} : memref<128xi32, #tpu.memory_space<vmem>>, vector<16xi32>,
        %get3A_821 = vector.shape_cast %get3A_820 : vector<16xi32> to vector<16xi32>
        %shift_right_arithmetic3A_822 = arith.constant 16 : i32
        %shift_right_arithmetic3A_823 = vector.broadcast %shift_right_arithmetic3A_822 : i32 to vector<16xi32>
        %shift_right_arithmetic3A_824 = arith.shrsi %get3A_821, %shift_right_arithmetic3A_823 : vector<16xi32>
        %swap3A_825 = arith.constant 0 : i32
        %swap3A_826 = arith.constant 0 : i32
        %swap3A_827 = tpu.memref_slice %arg10[%swap3A_825, %swap3A_826] : memref<2x128xi32, #tpu.memory_space<vmem>> -> memref<1x128xi32, #tpu.memory_space<vmem>>
        %swap3A_828 = tpu.memref_squeeze %swap3A_827 : memref<1x128xi32, #tpu.memory_space<vmem>> -> memref<128xi32, #tpu.memory_space<vmem>>
        %swap3A_829 = arith.constant 0 : index
        %swap3A_830 = tpu.vector_load %swap3A_828[%swap3A_829] {strides = array<i32>} : memref<128xi32, #tpu.memory_space<vmem>>, vector<16xi32>,
        %swap3A_831 = vector.shape_cast %swap3A_830 : vector<16xi32> to vector<16xi32>
        %swap3A_832 = vector.shape_cast %shift_right_arithmetic3A_824 : vector<16xi32> to vector<16xi32>
        tpu.vector_store %swap3A_828[%swap3A_829], %swap3A_832 {strides = array<i32>} : memref<128xi32, #tpu.memory_space<vmem>>, vector<16xi32>,
        %get3A_833 = arith.constant 0 : i32
        %get3A_834 = arith.constant 0 : i32
        %get3A_835 = tpu.memref_slice %arg8[%get3A_833, %get3A_834] : memref<2x128xi32, #tpu.memory_space<vmem>> -> memref<1x128xi32, #tpu.memory_space<vmem>>
        %get3A_836 = tpu.memref_squeeze %get3A_835 : memref<1x128xi32, #tpu.memory_space<vmem>> -> memref<128xi32, #tpu.memory_space<vmem>>
        %get3A_837 = arith.constant 16 : index
        %get3A_838 = tpu.vector_load %get3A_836[%get3A_837] {strides = array<i32>} : memref<128xi32, #tpu.memory_space<vmem>>, vector<16xi32>,
        %get3A_839 = vector.shape_cast %get3A_838 : vector<16xi32> to vector<16xi32>
        %shift_right_arithmetic3A_840 = arith.constant 16 : i32
        %shift_right_arithmetic3A_841 = vector.broadcast %shift_right_arithmetic3A_840 : i32 to vector<16xi32>
        %shift_right_arithmetic3A_842 = arith.shrsi %get3A_839, %shift_right_arithmetic3A_841 : vector<16xi32>
        %swap3A_843 = arith.constant 0 : i32
        %swap3A_844 = arith.constant 0 : i32
        %swap3A_845 = tpu.memref_slice %arg10[%swap3A_843, %swap3A_844] : memref<2x128xi32, #tpu.memory_space<vmem>> -> memref<1x128xi32, #tpu.memory_space<vmem>>
        %swap3A_846 = tpu.memref_squeeze %swap3A_845 : memref<1x128xi32, #tpu.memory_space<vmem>> -> memref<128xi32, #tpu.memory_space<vmem>>
        %swap3A_847 = arith.constant 16 : index
        %swap3A_848 = tpu.vector_load %swap3A_846[%swap3A_847] {strides = array<i32>} : memref<128xi32, #tpu.memory_space<vmem>>, vector<16xi32>,
        %swap3A_849 = vector.shape_cast %swap3A_848 : vector<16xi32> to vector<16xi32>
        %swap3A_850 = vector.shape_cast %shift_right_arithmetic3A_842 : vector<16xi32> to vector<16xi32>
        tpu.vector_store %swap3A_846[%swap3A_847], %swap3A_850 {strides = array<i32>} : memref<128xi32, #tpu.memory_space<vmem>>, vector<16xi32>,
        %get3A_851 = arith.constant 0 : i32
        %get3A_852 = arith.constant 0 : i32
        %get3A_853 = tpu.memref_slice %arg8[%get3A_851, %get3A_852] : memref<2x128xi32, #tpu.memory_space<vmem>> -> memref<1x128xi32, #tpu.memory_space<vmem>>
        %get3A_854 = tpu.memref_squeeze %get3A_853 : memref<1x128xi32, #tpu.memory_space<vmem>> -> memref<128xi32, #tpu.memory_space<vmem>>
        %get3A_855 = arith.constant 32 : index
        %get3A_856 = tpu.vector_load %get3A_854[%get3A_855] {strides = array<i32>} : memref<128xi32, #tpu.memory_space<vmem>>, vector<16xi32>,
        %get3A_857 = vector.shape_cast %get3A_856 : vector<16xi32> to vector<16xi32>
        %shift_right_arithmetic3A_858 = arith.constant 16 : i32
        %shift_right_arithmetic3A_859 = vector.broadcast %shift_right_arithmetic3A_858 : i32 to vector<16xi32>
        %shift_right_arithmetic3A_860 = arith.shrsi %get3A_857, %shift_right_arithmetic3A_859 : vector<16xi32>
        %swap3A_861 = arith.constant 0 : i32
        %swap3A_862 = arith.constant 0 : i32
        %swap3A_863 = tpu.memref_slice %arg10[%swap3A_861, %swap3A_862] : memref<2x128xi32, #tpu.memory_space<vmem>> -> memref<1x128xi32, #tpu.memory_space<vmem>>
        %swap3A_864 = tpu.memref_squeeze %swap3A_863 : memref<1x128xi32, #tpu.memory_space<vmem>> -> memref<128xi32, #tpu.memory_space<vmem>>
        %swap3A_865 = arith.constant 32 : index
        %swap3A_866 = tpu.vector_load %swap3A_864[%swap3A_865] {strides = array<i32>} : memref<128xi32, #tpu.memory_space<vmem>>, vector<16xi32>,
        %swap3A_867 = vector.shape_cast %swap3A_866 : vector<16xi32> to vector<16xi32>
        %swap3A_868 = vector.shape_cast %shift_right_arithmetic3A_860 : vector<16xi32> to vector<16xi32>
        tpu.vector_store %swap3A_864[%swap3A_865], %swap3A_868 {strides = array<i32>} : memref<128xi32, #tpu.memory_space<vmem>>, vector<16xi32>,
        %get3A_869 = arith.constant 0 : i32
        %get3A_870 = arith.constant 0 : i32
        %get3A_871 = tpu.memref_slice %arg8[%get3A_869, %get3A_870] : memref<2x128xi32, #tpu.memory_space<vmem>> -> memref<1x128xi32, #tpu.memory_space<vmem>>
        %get3A_872 = tpu.memref_squeeze %get3A_871 : memref<1x128xi32, #tpu.memory_space<vmem>> -> memref<128xi32, #tpu.memory_space<vmem>>
        %get3A_873 = arith.constant 48 : index
        %get3A_874 = tpu.vector_load %get3A_872[%get3A_873] {strides = array<i32>} : memref<128xi32, #tpu.memory_space<vmem>>, vector<16xi32>,
        %get3A_875 = vector.shape_cast %get3A_874 : vector<16xi32> to vector<16xi32>
        %shift_right_arithmetic3A_876 = arith.constant 16 : i32
        %shift_right_arithmetic3A_877 = vector.broadcast %shift_right_arithmetic3A_876 : i32 to vector<16xi32>
        %shift_right_arithmetic3A_878 = arith.shrsi %get3A_875, %shift_right_arithmetic3A_877 : vector<16xi32>
        %swap3A_879 = arith.constant 0 : i32
        %swap3A_880 = arith.constant 0 : i32
        %swap3A_881 = tpu.memref_slice %arg10[%swap3A_879, %swap3A_880] : memref<2x128xi32, #tpu.memory_space<vmem>> -> memref<1x128xi32, #tpu.memory_space<vmem>>
        %swap3A_882 = tpu.memref_squeeze %swap3A_881 : memref<1x128xi32, #tpu.memory_space<vmem>> -> memref<128xi32, #tpu.memory_space<vmem>>
        %swap3A_883 = arith.constant 48 : index
        %swap3A_884 = tpu.vector_load %swap3A_882[%swap3A_883] {strides = array<i32>} : memref<128xi32, #tpu.memory_space<vmem>>, vector<16xi32>,
        %swap3A_885 = vector.shape_cast %swap3A_884 : vector<16xi32> to vector<16xi32>
        %swap3A_886 = vector.shape_cast %shift_right_arithmetic3A_878 : vector<16xi32> to vector<16xi32>
        tpu.vector_store %swap3A_882[%swap3A_883], %swap3A_886 {strides = array<i32>} : memref<128xi32, #tpu.memory_space<vmem>>, vector<16xi32>,
        %get3A_887 = arith.constant 0 : i32
        %get3A_888 = arith.constant 0 : i32
        %get3A_889 = tpu.memref_slice %arg8[%get3A_887, %get3A_888] : memref<2x128xi32, #tpu.memory_space<vmem>> -> memref<1x128xi32, #tpu.memory_space<vmem>>
        %get3A_890 = tpu.memref_squeeze %get3A_889 : memref<1x128xi32, #tpu.memory_space<vmem>> -> memref<128xi32, #tpu.memory_space<vmem>>
        %get3A_891 = arith.constant 64 : index
        %get3A_892 = tpu.vector_load %get3A_890[%get3A_891] {strides = array<i32>} : memref<128xi32, #tpu.memory_space<vmem>>, vector<16xi32>,
        %get3A_893 = vector.shape_cast %get3A_892 : vector<16xi32> to vector<16xi32>
        %shift_right_arithmetic3A_894 = arith.constant 16 : i32
        %shift_right_arithmetic3A_895 = vector.broadcast %shift_right_arithmetic3A_894 : i32 to vector<16xi32>
        %shift_right_arithmetic3A_896 = arith.shrsi %get3A_893, %shift_right_arithmetic3A_895 : vector<16xi32>
        %swap3A_897 = arith.constant 0 : i32
        %swap3A_898 = arith.constant 0 : i32
        %swap3A_899 = tpu.memref_slice %arg10[%swap3A_897, %swap3A_898] : memref<2x128xi32, #tpu.memory_space<vmem>> -> memref<1x128xi32, #tpu.memory_space<vmem>>
        %swap3A_900 = tpu.memref_squeeze %swap3A_899 : memref<1x128xi32, #tpu.memory_space<vmem>> -> memref<128xi32, #tpu.memory_space<vmem>>
        %swap3A_901 = arith.constant 64 : index
        %swap3A_902 = tpu.vector_load %swap3A_900[%swap3A_901] {strides = array<i32>} : memref<128xi32, #tpu.memory_space<vmem>>, vector<16xi32>,
        %swap3A_903 = vector.shape_cast %swap3A_902 : vector<16xi32> to vector<16xi32>
        %swap3A_904 = vector.shape_cast %shift_right_arithmetic3A_896 : vector<16xi32> to vector<16xi32>
        tpu.vector_store %swap3A_900[%swap3A_901], %swap3A_904 {strides = array<i32>} : memref<128xi32, #tpu.memory_space<vmem>>, vector<16xi32>,
        %get3A_905 = arith.constant 0 : i32
        %get3A_906 = arith.constant 0 : i32
        %get3A_907 = tpu.memref_slice %arg8[%get3A_905, %get3A_906] : memref<2x128xi32, #tpu.memory_space<vmem>> -> memref<1x128xi32, #tpu.memory_space<vmem>>
        %get3A_908 = tpu.memref_squeeze %get3A_907 : memref<1x128xi32, #tpu.memory_space<vmem>> -> memref<128xi32, #tpu.memory_space<vmem>>
        %get3A_909 = arith.constant 80 : index
        %get3A_910 = tpu.vector_load %get3A_908[%get3A_909] {strides = array<i32>} : memref<128xi32, #tpu.memory_space<vmem>>, vector<16xi32>,
        %get3A_911 = vector.shape_cast %get3A_910 : vector<16xi32> to vector<16xi32>
        %shift_right_arithmetic3A_912 = arith.constant 16 : i32
        %shift_right_arithmetic3A_913 = vector.broadcast %shift_right_arithmetic3A_912 : i32 to vector<16xi32>
        %shift_right_arithmetic3A_914 = arith.shrsi %get3A_911, %shift_right_arithmetic3A_913 : vector<16xi32>
        %swap3A_915 = arith.constant 0 : i32
        %swap3A_916 = arith.constant 0 : i32
        %swap3A_917 = tpu.memref_slice %arg10[%swap3A_915, %swap3A_916] : memref<2x128xi32, #tpu.memory_space<vmem>> -> memref<1x128xi32, #tpu.memory_space<vmem>>
        %swap3A_918 = tpu.memref_squeeze %swap3A_917 : memref<1x128xi32, #tpu.memory_space<vmem>> -> memref<128xi32, #tpu.memory_space<vmem>>
        %swap3A_919 = arith.constant 80 : index
        %swap3A_920 = tpu.vector_load %swap3A_918[%swap3A_919] {strides = array<i32>} : memref<128xi32, #tpu.memory_space<vmem>>, vector<16xi32>,
        %swap3A_921 = vector.shape_cast %swap3A_920 : vector<16xi32> to vector<16xi32>
        %swap3A_922 = vector.shape_cast %shift_right_arithmetic3A_914 : vector<16xi32> to vector<16xi32>
        tpu.vector_store %swap3A_918[%swap3A_919], %swap3A_922 {strides = array<i32>} : memref<128xi32, #tpu.memory_space<vmem>>, vector<16xi32>,
        %get3A_923 = arith.constant 0 : i32
        %get3A_924 = arith.constant 0 : i32
        %get3A_925 = tpu.memref_slice %arg8[%get3A_923, %get3A_924] : memref<2x128xi32, #tpu.memory_space<vmem>> -> memref<1x128xi32, #tpu.memory_space<vmem>>
        %get3A_926 = tpu.memref_squeeze %get3A_925 : memref<1x128xi32, #tpu.memory_space<vmem>> -> memref<128xi32, #tpu.memory_space<vmem>>
        %get3A_927 = arith.constant 96 : index
        %get3A_928 = tpu.vector_load %get3A_926[%get3A_927] {strides = array<i32>} : memref<128xi32, #tpu.memory_space<vmem>>, vector<16xi32>,
        %get3A_929 = vector.shape_cast %get3A_928 : vector<16xi32> to vector<16xi32>
        %shift_right_arithmetic3A_930 = arith.constant 16 : i32
        %shift_right_arithmetic3A_931 = vector.broadcast %shift_right_arithmetic3A_930 : i32 to vector<16xi32>
        %shift_right_arithmetic3A_932 = arith.shrsi %get3A_929, %shift_right_arithmetic3A_931 : vector<16xi32>
        %swap3A_933 = arith.constant 0 : i32
        %swap3A_934 = arith.constant 0 : i32
        %swap3A_935 = tpu.memref_slice %arg10[%swap3A_933, %swap3A_934] : memref<2x128xi32, #tpu.memory_space<vmem>> -> memref<1x128xi32, #tpu.memory_space<vmem>>
        %swap3A_936 = tpu.memref_squeeze %swap3A_935 : memref<1x128xi32, #tpu.memory_space<vmem>> -> memref<128xi32, #tpu.memory_space<vmem>>
        %swap3A_937 = arith.constant 96 : index
        %swap3A_938 = tpu.vector_load %swap3A_936[%swap3A_937] {strides = array<i32>} : memref<128xi32, #tpu.memory_space<vmem>>, vector<16xi32>,
        %swap3A_939 = vector.shape_cast %swap3A_938 : vector<16xi32> to vector<16xi32>
        %swap3A_940 = vector.shape_cast %shift_right_arithmetic3A_932 : vector<16xi32> to vector<16xi32>
        tpu.vector_store %swap3A_936[%swap3A_937], %swap3A_940 {strides = array<i32>} : memref<128xi32, #tpu.memory_space<vmem>>, vector<16xi32>,
        %get3A_941 = arith.constant 0 : i32
        %get3A_942 = arith.constant 0 : i32
        %get3A_943 = tpu.memref_slice %arg8[%get3A_941, %get3A_942] : memref<2x128xi32, #tpu.memory_space<vmem>> -> memref<1x128xi32, #tpu.memory_space<vmem>>
        %get3A_944 = tpu.memref_squeeze %get3A_943 : memref<1x128xi32, #tpu.memory_space<vmem>> -> memref<128xi32, #tpu.memory_space<vmem>>
        %get3A_945 = arith.constant 112 : index
        %get3A_946 = tpu.vector_load %get3A_944[%get3A_945] {strides = array<i32>} : memref<128xi32, #tpu.memory_space<vmem>>, vector<16xi32>,
        %get3A_947 = vector.shape_cast %get3A_946 : vector<16xi32> to vector<16xi32>
        %shift_right_arithmetic3A_948 = arith.constant 16 : i32
        %shift_right_arithmetic3A_949 = vector.broadcast %shift_right_arithmetic3A_948 : i32 to vector<16xi32>
        %shift_right_arithmetic3A_950 = arith.shrsi %get3A_947, %shift_right_arithmetic3A_949 : vector<16xi32>
        %swap3A_951 = arith.constant 0 : i32
        %swap3A_952 = arith.constant 0 : i32
        %swap3A_953 = tpu.memref_slice %arg10[%swap3A_951, %swap3A_952] : memref<2x128xi32, #tpu.memory_space<vmem>> -> memref<1x128xi32, #tpu.memory_space<vmem>>
        %swap3A_954 = tpu.memref_squeeze %swap3A_953 : memref<1x128xi32, #tpu.memory_space<vmem>> -> memref<128xi32, #tpu.memory_space<vmem>>
        %swap3A_955 = arith.constant 112 : index
        %swap3A_956 = tpu.vector_load %swap3A_954[%swap3A_955] {strides = array<i32>} : memref<128xi32, #tpu.memory_space<vmem>>, vector<16xi32>,
        %swap3A_957 = vector.shape_cast %swap3A_956 : vector<16xi32> to vector<16xi32>
        %swap3A_958 = vector.shape_cast %shift_right_arithmetic3A_950 : vector<16xi32> to vector<16xi32>
        tpu.vector_store %swap3A_954[%swap3A_955], %swap3A_958 {strides = array<i32>} : memref<128xi32, #tpu.memory_space<vmem>>, vector<16xi32>,
        %dma_start3A_959 = arith.constant 0 : i32
        %dma_start3A_960 = arith.constant 0 : i32
        %dma_start3A_961 = arith.constant 0 : i32
        %dma_start3A_962 = arith.constant 0 : i32
        %dma_start3A_963 = arith.constant 0 : i32
        %dma_start3A_964 = tpu.memref_slice %arg11[%dma_start3A_960, %dma_start3A_962, %dma_start3A_963] : memref<2x128x64xf32, #tpu.memory_space<vmem>> -> memref<1x128x64xf32, #tpu.memory_space<vmem>>
        %dma_start3A_965 = tpu.memref_squeeze %dma_start3A_964 : memref<1x128x64xf32, #tpu.memory_space<vmem>> -> memref<128x64xf32, #tpu.memory_space<vmem>>
        %dma_start3A_966 = arith.constant 0 : i32
        %dma_start3A_967 = tpu.memref_slice %arg9[%dma_start3A_959, %dma_start3A_966] : memref<2x128xi32, #tpu.memory_space<vmem>> -> memref<1x128xi32, #tpu.memory_space<vmem>>
        %dma_start3A_968 = tpu.memref_squeeze %dma_start3A_967 : memref<1x128xi32, #tpu.memory_space<vmem>> -> memref<128xi32, #tpu.memory_space<vmem>>
        %dma_start3A_969 = arith.constant 0 : i32
        %dma_start3A_970 = arith.constant 0 : i32
        %dma_start3A_971 = tpu.memref_slice %arg6[%dma_start3A_969, %dma_start3A_970] : memref<10008x64xf32, #tpu.memory_space<vmem_shared>> -> memref<10008x64xf32, #tpu.memory_space<vmem_shared>>
        %dma_start3A_972 = tpu.memref_slice %arg13[%dma_start3A_961] : memref<2x!tpu.dma_semaphore, #tpu.memory_space<semaphore_mem>> -> memref<1x!tpu.dma_semaphore, #tpu.memory_space<semaphore_mem>>
        %dma_start3A_973 = tpu.memref_squeeze %dma_start3A_972 : memref<1x!tpu.dma_semaphore, #tpu.memory_space<semaphore_mem>> -> memref<!tpu.dma_semaphore, #tpu.memory_space<semaphore_mem>>
        tpu.enqueue_indirect_dma source(%dma_start3A_971 : memref<10008x64xf32, #tpu.memory_space<vmem_shared>>) target(%dma_start3A_965 : memref<128x64xf32, #tpu.memory_space<vmem>>) offsets(%dma_start3A_968 : memref<128xi32, #tpu.memory_space<vmem>>) semaphore(%dma_start3A_973 : memref<!tpu.dma_semaphore, #tpu.memory_space<semaphore_mem>>)
      } else {
      }
      %lt3A_810 = arith.constant 77 : i32
      %lt3A_811 = arith.cmpi slt, %scan3A_555, %lt3A_810 : i32
      %convert_element_type3A_812 = arith.extui %lt3A_811 : i1 to i32
      %cond3A_813 = arith.constant 0 : i32
      %cond3A_814 = arith.cmpi ne, %convert_element_type3A_812, %cond3A_813 : i32
      scf.if %cond3A_814 {
        %add3A_815 = arith.constant 4 : i32
        %add3A_816 = arith.addi %mul3A_557, %add3A_815 : i32
        %dma_start3A_817 = arith.constant 0 : i32
        %dma_start3A_818 = arith.constant 0 : i32
        %dma_start3A_819 = arith.constant 0 : i32
        %dma_start3A_820 = tpu.memref_slice %arg8[%dma_start3A_817, %dma_start3A_819] : memref<2x128xi32, #tpu.memory_space<vmem>> -> memref<1x128xi32, #tpu.memory_space<vmem>>
        %dma_start3A_821 = tpu.memref_squeeze %dma_start3A_820 : memref<1x128xi32, #tpu.memory_space<vmem>> -> memref<128xi32, #tpu.memory_space<vmem>>
        %dma_start3A_822 = arith.constant 0 : i32
        %dma_start3A_823 = tpu.memref_slice %arg3[%arg1, %add3A_816, %dma_start3A_822] : memref<16x158x128xi32, #tpu.memory_space<hbm>> -> memref<1x1x128xi32, #tpu.memory_space<hbm>>
        %dma_start3A_824 = tpu.memref_squeeze %dma_start3A_823 : memref<1x1x128xi32, #tpu.memory_space<hbm>> -> memref<128xi32, #tpu.memory_space<hbm>>
        %dma_start3A_825 = tpu.memref_slice %arg12[%dma_start3A_818] : memref<2x!tpu.dma_semaphore, #tpu.memory_space<semaphore_mem>> -> memref<1x!tpu.dma_semaphore, #tpu.memory_space<semaphore_mem>>
        %dma_start3A_826 = tpu.memref_squeeze %dma_start3A_825 : memref<1x!tpu.dma_semaphore, #tpu.memory_space<semaphore_mem>> -> memref<!tpu.dma_semaphore, #tpu.memory_space<semaphore_mem>>
        %dma_start3A_827 = arith.constant 0 : i32
        %dma_start3A_828 = tpu.memref_slice %arg8[%dma_start3A_817, %dma_start3A_827] : memref<2x128xi32, #tpu.memory_space<vmem>> -> memref<1x128xi32, #tpu.memory_space<vmem>>
        %dma_start3A_829 = tpu.memref_squeeze %dma_start3A_828 : memref<1x128xi32, #tpu.memory_space<vmem>> -> memref<128xi32, #tpu.memory_space<vmem>>
        %dma_start3A_830 = arith.constant 0 : i32
        %dma_start3A_831 = tpu.memref_slice %arg3[%arg1, %add3A_816, %dma_start3A_830] : memref<16x158x128xi32, #tpu.memory_space<hbm>> -> memref<1x1x128xi32, #tpu.memory_space<hbm>>
        %dma_start3A_832 = tpu.memref_squeeze %dma_start3A_831 : memref<1x1x128xi32, #tpu.memory_space<hbm>> -> memref<128xi32, #tpu.memory_space<hbm>>
        tpu.enqueue_dma source(%dma_start3A_832 : memref<128xi32, #tpu.memory_space<hbm>>) target(%dma_start3A_829 : memref<128xi32, #tpu.memory_space<vmem>>) target_semaphore(%dma_start3A_826 : memref<!tpu.dma_semaphore, #tpu.memory_space<semaphore_mem>>)
      } else {
      }
    }
    %scan3A_533 = arith.constant 79 : i32
    %dma_wait3A_534 = arith.constant 1 : i32
    %dma_wait3A_535 = arith.constant 1 : i32
    %dma_wait3A_536 = arith.constant 1 : i32
    %dma_wait3A_537 = arith.constant 0 : i32
    %dma_wait3A_538 = arith.constant 0 : i32
    %dma_wait3A_539 = tpu.memref_slice %arg11[%dma_wait3A_534, %dma_wait3A_537, %dma_wait3A_538] : memref<2x128x64xf32, #tpu.memory_space<vmem>> -> memref<1x128x64xf32, #tpu.memory_space<vmem>>
    %dma_wait3A_540 = tpu.memref_squeeze %dma_wait3A_539 : memref<1x128x64xf32, #tpu.memory_space<vmem>> -> memref<128x64xf32, #tpu.memory_space<vmem>>
    %dma_wait3A_541 = arith.constant 0 : i32
    %dma_wait3A_542 = tpu.memref_slice %arg10[%dma_wait3A_535, %dma_wait3A_541] : memref<2x128xi32, #tpu.memory_space<vmem>> -> memref<1x128xi32, #tpu.memory_space<vmem>>
    %dma_wait3A_543 = tpu.memref_squeeze %dma_wait3A_542 : memref<1x128xi32, #tpu.memory_space<vmem>> -> memref<128xi32, #tpu.memory_space<vmem>>
    %dma_wait3A_544 = arith.constant 0 : i32
    %dma_wait3A_545 = arith.constant 0 : i32
    %dma_wait3A_546 = tpu.memref_slice %arg7[%dma_wait3A_544, %dma_wait3A_545] : memref<10008x64xf32, #tpu.memory_space<vmem_shared>> -> memref<10008x64xf32, #tpu.memory_space<vmem_shared>>
    %dma_wait3A_547 = tpu.memref_slice %arg14[%dma_wait3A_536] : memref<2x!tpu.dma_semaphore, #tpu.memory_space<semaphore_mem>> -> memref<1x!tpu.dma_semaphore, #tpu.memory_space<semaphore_mem>>
    %dma_wait3A_548 = tpu.memref_squeeze %dma_wait3A_547 : memref<1x!tpu.dma_semaphore, #tpu.memory_space<semaphore_mem>> -> memref<!tpu.dma_semaphore, #tpu.memory_space<semaphore_mem>>
    tpu.wait_indirect_dma semaphore(%dma_wait3A_548 : memref<!tpu.dma_semaphore, #tpu.memory_space<semaphore_mem>>) src(%dma_wait3A_540 : memref<128x64xf32, #tpu.memory_space<vmem>>) dst(%dma_wait3A_546 : memref<10008x64xf32, #tpu.memory_space<vmem_shared>>)
    %barrier3A_549 = arith.constant 0 : index
    tpu.barrier barrier_id(%barrier3A_549)
    "tpu.region"() ({
      %run_scoped3A = tpu.sem_alloc : memref<!tpu.dma_semaphore, #tpu.memory_space<semaphore_mem>>
      %dma_start3A_555 = arith.constant 0 : i32
      %dma_start3A_556 = tpu.memref_slice %arg5[%arg0, %mul3A_0, %dma_start3A_555] : memref<2x10000x64xf32, #tpu.memory_space<hbm>> -> memref<1x624x64xf32, #tpu.memory_space<hbm>>
      %dma_start3A_557 = tpu.memref_squeeze %dma_start3A_556 : memref<1x624x64xf32, #tpu.memory_space<hbm>> -> memref<624x64xf32, #tpu.memory_space<hbm>>
      %dma_start3A_558 = arith.constant 0 : i32
      %dma_start3A_559 = tpu.memref_slice %arg7[%mul3A_0, %dma_start3A_558] : memref<10008x64xf32, #tpu.memory_space<vmem_shared>> -> memref<624x64xf32, #tpu.memory_space<vmem_shared>>
      tpu.enqueue_dma source(%dma_start3A_559 : memref<624x64xf32, #tpu.memory_space<vmem_shared>>) target(%dma_start3A_557 : memref<624x64xf32, #tpu.memory_space<hbm>>) target_semaphore(%run_scoped3A : memref<!tpu.dma_semaphore, #tpu.memory_space<semaphore_mem>>)
      %dma_wait3A_560 = arith.constant 0 : i32
      %dma_wait3A_561 = tpu.memref_slice %arg5[%arg0, %mul3A_0, %dma_wait3A_560] : memref<2x10000x64xf32, #tpu.memory_space<hbm>> -> memref<1x624x64xf32, #tpu.memory_space<hbm>>
      %dma_wait3A_562 = tpu.memref_squeeze %dma_wait3A_561 : memref<1x624x64xf32, #tpu.memory_space<hbm>> -> memref<624x64xf32, #tpu.memory_space<hbm>>
      %dma_wait3A_563 = arith.constant 0 : i32
      %dma_wait3A_564 = tpu.memref_slice %arg7[%mul3A_0, %dma_wait3A_563] : memref<10008x64xf32, #tpu.memory_space<vmem_shared>> -> memref<624x64xf32, #tpu.memory_space<vmem_shared>>
      tpu.wait_dma2 semaphore(%run_scoped3A : memref<!tpu.dma_semaphore, #tpu.memory_space<semaphore_mem>>) src(%dma_wait3A_564 : memref<624x64xf32, #tpu.memory_space<vmem_shared>>) dst(%dma_wait3A_562 : memref<624x64xf32, #tpu.memory_space<hbm>>)
      tpu.yield
    }) : () -> ()
    %eq3A_550 = arith.constant 0 : i32
    %eq3A_551 = arith.cmpi eq, %arg1, %eq3A_550 : i32
    %convert_element_type3A_552 = arith.extui %eq3A_551 : i1 to i32
    %cond3A_553 = arith.constant 0 : i32
    %cond3A_554 = arith.cmpi ne, %convert_element_type3A_552, %cond3A_553 : i32
    scf.if %cond3A_554 {
      "tpu.region"() ({
        %run_scoped3A = tpu.sem_alloc : memref<!tpu.dma_semaphore, #tpu.memory_space<semaphore_mem>>
        %dma_start3A_555 = arith.constant 9984 : i32
        %dma_start3A_556 = arith.constant 0 : i32
        %dma_start3A_557 = tpu.memref_slice %arg5[%arg0, %dma_start3A_555, %dma_start3A_556] : memref<2x10000x64xf32, #tpu.memory_space<hbm>> -> memref<1x16x64xf32, #tpu.memory_space<hbm>>
        %dma_start3A_558 = tpu.memref_squeeze %dma_start3A_557 : memref<1x16x64xf32, #tpu.memory_space<hbm>> -> memref<16x64xf32, #tpu.memory_space<hbm>>
        %dma_start3A_559 = arith.constant 9984 : i32
        %dma_start3A_560 = arith.constant 0 : i32
        %dma_start3A_561 = tpu.memref_slice %arg7[%dma_start3A_559, %dma_start3A_560] : memref<10008x64xf32, #tpu.memory_space<vmem_shared>> -> memref<16x64xf32, #tpu.memory_space<vmem_shared>>
        tpu.enqueue_dma source(%dma_start3A_561 : memref<16x64xf32, #tpu.memory_space<vmem_shared>>) target(%dma_start3A_558 : memref<16x64xf32, #tpu.memory_space<hbm>>) target_semaphore(%run_scoped3A : memref<!tpu.dma_semaphore, #tpu.memory_space<semaphore_mem>>)
        %dma_wait3A_562 = arith.constant 9984 : i32
        %dma_wait3A_563 = arith.constant 0 : i32
        %dma_wait3A_564 = tpu.memref_slice %arg5[%arg0, %dma_wait3A_562, %dma_wait3A_563] : memref<2x10000x64xf32, #tpu.memory_space<hbm>> -> memref<1x16x64xf32, #tpu.memory_space<hbm>>
        %dma_wait3A_565 = tpu.memref_squeeze %dma_wait3A_564 : memref<1x16x64xf32, #tpu.memory_space<hbm>> -> memref<16x64xf32, #tpu.memory_space<hbm>>
        %dma_wait3A_566 = arith.constant 9984 : i32
        %dma_wait3A_567 = arith.constant 0 : i32
        %dma_wait3A_568 = tpu.memref_slice %arg7[%dma_wait3A_566, %dma_wait3A_567] : memref<10008x64xf32, #tpu.memory_space<vmem_shared>> -> memref<16x64xf32, #tpu.memory_space<vmem_shared>>
        tpu.wait_dma2 semaphore(%run_scoped3A : memref<!tpu.dma_semaphore, #tpu.memory_space<semaphore_mem>>) src(%dma_wait3A_568 : memref<16x64xf32, #tpu.memory_space<vmem_shared>>) dst(%dma_wait3A_565 : memref<16x64xf32, #tpu.memory_space<hbm>>)
        tpu.yield
      }) : () -> ()
    } else {
    }
    return
  }
}

module attributes {stable_mosaic.version = 14 : i64} {
  func.func @_mm_body(%arg0: i32, %arg1: i32, %arg2: memref<10000x128xf32, #tpu.memory_space<vmem>>, %arg3: memref<10000x1xf32, #tpu.memory_space<vmem>>, %arg4: memref<1x128x64xf32, #tpu.memory_space<vmem>>, %arg5: memref<1x10000x64xf32, #tpu.memory_space<vmem>>) attributes {dimension_semantics = [#tpu.dimension_semantics<arbitrary>, #tpu.dimension_semantics<arbitrary>], iteration_bounds = array<i64: 2, 1>, scalar_prefetch = 0 : i64, scratch_operands = 0 : i64, tpu.core_type = #tpu.core_type<tc>, window_params = [{transform_indices = @transform_0, window_bounds = array<i64: 10000, 128>}, {transform_indices = @transform_1, window_bounds = array<i64: 10000, 1>}, {transform_indices = @transform_2, window_bounds = array<i64: 1, 128, 64>}, {transform_indices = @transform_3, window_bounds = array<i64: 1, 10000, 64>}]} {
    %get3A = arith.constant 0 : index
    %get3A_0 = arith.constant 0 : index
    %get3A_1 = vector.load %arg2[%get3A, %get3A_0] : memref<10000x128xf32, #tpu.memory_space<vmem>>, vector<10000x128xf32>
    %get3A_2 = arith.constant 0 : index
    %get3A_3 = arith.constant 0 : index
    %get3A_4 = vector.load %arg3[%get3A_2, %get3A_3] : memref<10000x1xf32, #tpu.memory_space<vmem>>, vector<10000x1xf32>
    %mul3A = vector.broadcast %get3A_4 : vector<10000x1xf32> to vector<10000x128xf32>
    %mul3A_5 = arith.mulf %get3A_1, %mul3A : vector<10000x128xf32>
    %get3A_6 = arith.constant 0 : index
    %get3A_7 = arith.constant 0 : index
    %get3A_8 = arith.constant 0 : index
    %get3A_9 = vector.load %arg4[%get3A_6, %get3A_7, %get3A_8] : memref<1x128x64xf32, #tpu.memory_space<vmem>>, vector<1x128x64xf32>
    %get3A_10 = vector.shape_cast %get3A_9 : vector<1x128x64xf32> to vector<128x64xf32>
    %dot_general3A = arith.constant dense<0.000000e+00> : vector<10000x64xf32>
    %dot_general3A_11 = tpu.matmul %mul3A_5, %get3A_10, %dot_general3A {dimension_numbers = #tpu.dot_dimension_numbers<[1], [0], [0], [1], [0, 0, 1, 1], [], []>, transpose_lhs_hint = false} : vector<10000x128xf32>, vector<128x64xf32>, vector<10000x64xf32> -> vector<10000x64xf32>
    %swap3A = arith.constant 0 : index
    %swap3A_12 = arith.constant 0 : index
    %swap3A_13 = arith.constant 0 : index
    %swap3A_14 = vector.load %arg5[%swap3A, %swap3A_12, %swap3A_13] : memref<1x10000x64xf32, #tpu.memory_space<vmem>>, vector<1x10000x64xf32>
    %swap3A_15 = vector.shape_cast %swap3A_14 : vector<1x10000x64xf32> to vector<10000x64xf32>
    %swap3A_16 = vector.shape_cast %dot_general3A_11 : vector<10000x64xf32> to vector<1x10000x64xf32>
    tpu.vector_store %arg5[%swap3A, %swap3A_12, %swap3A_13], %swap3A_16 {strides = array<i32>} : memref<1x10000x64xf32, #tpu.memory_space<vmem>>, vector<1x10000x64xf32>,
    return
  }
  func.func @transform_0(%arg0: i32, %arg1: i32) -> (i32, i32) {
    %c0_i32 = arith.constant 0 : i32
    %c0_i32_0 = arith.constant 0 : i32
    return %arg1, %c0_i32 : i32, i32
  }
  func.func @transform_1(%arg0: i32, %arg1: i32) -> (i32, i32) {
    %c0_i32 = arith.constant 0 : i32
    %c0_i32_0 = arith.constant 0 : i32
    return %arg1, %c0_i32 : i32, i32
  }
  func.func @transform_2(%arg0: i32, %arg1: i32) -> (i32, i32, i32) {
    %c0_i32 = arith.constant 0 : i32
    %c0_i32_0 = arith.constant 0 : i32
    %c0_i32_1 = arith.constant 0 : i32
    return %arg0, %c0_i32, %c0_i32_0 : i32, i32, i32
  }
  func.func @transform_3(%arg0: i32, %arg1: i32) -> (i32, i32, i32) {
    %c0_i32 = arith.constant 0 : i32
    %c0_i32_0 = arith.constant 0 : i32
    return %arg0, %arg1, %c0_i32 : i32, i32, i32
  }
}

module attributes {stable_mosaic.version = 14 : i64} {
  func.func @_finish_body(%arg0: i32, %arg1: memref<2x10000x64xf32, #tpu.memory_space<vmem>>, %arg2: memref<10000x1xf32, #tpu.memory_space<vmem>>, %arg3: memref<1x128xf32, #tpu.memory_space<vmem>>, %arg4: memref<10000x128xf32, #tpu.memory_space<vmem>>) attributes {dimension_semantics = [#tpu.dimension_semantics<arbitrary>], iteration_bounds = array<i64: 1>, scalar_prefetch = 0 : i64, scratch_operands = 0 : i64, tpu.core_type = #tpu.core_type<tc>, window_params = [{transform_indices = @transform_0, window_bounds = array<i64: 2, 10000, 64>}, {transform_indices = @transform_1, window_bounds = array<i64: 10000, 1>}, {pipeline_mode = #tpu.pipeline_mode<synchronous>, transform_indices = @transform_2, window_bounds = array<i64: 1, 128>}, {transform_indices = @transform_3, window_bounds = array<i64: 10000, 128>}]} {
    %get3A = arith.constant 0 : index
    %get3A_0 = arith.constant 0 : index
    %get3A_1 = arith.constant 0 : index
    %get3A_2 = vector.load %arg1[%get3A, %get3A_0, %get3A_1] : memref<2x10000x64xf32, #tpu.memory_space<vmem>>, vector<1x10000x64xf32>
    %get3A_3 = vector.shape_cast %get3A_2 : vector<1x10000x64xf32> to vector<10000x64xf32>
    %get3A_4 = arith.constant 1 : index
    %get3A_5 = arith.constant 0 : index
    %get3A_6 = arith.constant 0 : index
    %get3A_7 = vector.load %arg1[%get3A_4, %get3A_5, %get3A_6] : memref<2x10000x64xf32, #tpu.memory_space<vmem>>, vector<1x10000x64xf32>
    %get3A_8 = vector.shape_cast %get3A_7 : vector<1x10000x64xf32> to vector<10000x64xf32>
    %concatenate3A = tpu.concatenate %get3A_3, %get3A_8 in 1 : vector<10000x64xf32>, vector<10000x64xf32> -> vector<10000x128xf32>
    %get3A_9 = arith.constant 0 : index
    %get3A_10 = arith.constant 0 : index
    %get3A_11 = vector.load %arg2[%get3A_9, %get3A_10] : memref<10000x1xf32, #tpu.memory_space<vmem>>, vector<10000x1xf32>
    %mul3A = vector.broadcast %get3A_11 : vector<10000x1xf32> to vector<10000x128xf32>
    %mul3A_12 = arith.mulf %concatenate3A, %mul3A : vector<10000x128xf32>
    %get3A_13 = arith.constant 0 : index
    %get3A_14 = arith.constant 0 : index
    %get3A_15 = vector.load %arg3[%get3A_13, %get3A_14] : memref<1x128xf32, #tpu.memory_space<vmem>>, vector<1x128xf32>
    %add3A = vector.broadcast %get3A_15 : vector<1x128xf32> to vector<10000x128xf32>
    %add3A_16 = arith.addf %mul3A_12, %add3A : vector<10000x128xf32>
    %swap3A = arith.constant 0 : index
    %swap3A_17 = arith.constant 0 : index
    %swap3A_18 = vector.load %arg4[%swap3A, %swap3A_17] : memref<10000x128xf32, #tpu.memory_space<vmem>>, vector<10000x128xf32>
    tpu.vector_store %arg4[%swap3A, %swap3A_17], %add3A_16 {strides = array<i32>} : memref<10000x128xf32, #tpu.memory_space<vmem>>, vector<10000x128xf32>,
    return
  }
  func.func @transform_0(%arg0: i32) -> (i32, i32, i32) {
    %c0_i32 = arith.constant 0 : i32
    %c0_i32_0 = arith.constant 0 : i32
    %c0_i32_1 = arith.constant 0 : i32
    return %c0_i32, %arg0, %c0_i32_0 : i32, i32, i32
  }
  func.func @transform_1(%arg0: i32) -> (i32, i32) {
    %c0_i32 = arith.constant 0 : i32
    %c0_i32_0 = arith.constant 0 : i32
    return %arg0, %c0_i32 : i32, i32
  }
  func.func @transform_2(%arg0: i32) -> (i32, i32) {
    %c0_i32 = arith.constant 0 : i32
    %c0_i32_0 = arith.constant 0 : i32
    %c0_i32_1 = arith.constant 0 : i32
    return %c0_i32, %c0_i32_0 : i32, i32
  }
  func.func @transform_3(%arg0: i32) -> (i32, i32) {
    %c0_i32 = arith.constant 0 : i32
    %c0_i32_0 = arith.constant 0 : i32
    return %arg0, %c0_i32 : i32, i32
  }
}

</mosaic_0001>

<sc_bundles>
// kernel: kernel.5.cloned.1.call-start
scs
__scs_entry_jumppad:
0x0: {  	(pc) =	sbr.rel $0x88, $3  }
0x1: {  	(tag) =	ssettag $0x0;
	lr =	simm.s32 $0x1  }
0x2: {  	[smem:$0x3F9C] =	sst lr;
	_ =	strace $0xD0000000  }
0x3: {  	_ = 	snop  }
0x4: {  	_ = 	snop  }
0x5: {  	_ = 	snop  }
0x6: {  	_ = 	snop  }
0x7: {  	_ = 	snop  }
__scs_overlays_trampoline_lowered:
0x8: {  	[smem:$0x3FAB] =	sst s0  }
0x9: {  	[smem:$0x3FAC] =	sst s1  }
0xa: {  	[smem:$0x3FAD] =	sst s2  }
0xb: {  	[smem:$0x3FAE] =	sst s3  }
0xc: {  	[smem:$0x3FAF] =	sst s4  }
0xd: {  	[smem:$0x3FB0] =	sst s5  }
0xe: {  	[smem:$0x3FB1] =	sst s6  }
0xf: {  	[smem:$0x3FB2] =	sst s7  }
0x10: {  	[smem:$0x3FB3] =	sst s8  }
0x11: {  	[smem:$0x3FB4] =	sst s9;
	s0 =	simm.s32 @!p0 $0x0  }
0x12: {  	s1 =	sld [smem:$0x3F9A];
	s0 =	simm.s32 @p0 $0x1  }
0x13: {  	[smem:$0x3FB5] =	sst s0;
	s0 =	simm.s32 @!p1 $0x0  }
0x14: {  	s2 =	sld [smem:$0x3F99];
	s0 =	simm.s32 @p1 $0x1  }
0x15: {  	[smem:$0x3FB6] =	sst s0;
	s0 =	simm.s32 @!p2 $0x0  }
0x16: {  	s3 =	sld [smem:$0x3FDB];
	s0 =	simm.s32 @p2 $0x1  }
0x17: {  	s4 =	simm.s32 $0x1BF5;
	[smem:$0x3FB8] =	sst s0  }
0x18: {  	s0 =	sld [smem:$0x3F9B];
	_ =	swait.ge [sflag:s4], $0x0  }
0x19: {  	s7 =	sld [smem:$0x3F9C]  }
0x1a: {  	s8 =	sadd.s32 $0xFFFFE003, lr  }
0x1b: {  	s9 =	sadd.s32 $0xFFFFFEF7, lr;
	s5 =	simm.s32 $0xFFFFFFFF;
	p2 =	slt.u32 s8, $0xFFFFF086  }
0x1c: {  	p1 =	slt.u32 s9, $0xF7A;
	s5 =	simm.s32 @!p2 $0x0  }
0x1d: {  	s5 =	simm.s32 @p1 $0x1;
	p0 =	seq.s32 s7, s2  }
0x1e: {  	s7 =	smul.u32 @!p0 $0xF7A, s2;
	p2 =	seq.s32 @!p0 s5, $0x0  }
0x1f: {  	s9 =	smul.u32 $0xF7A, s1;
	s8 =	simm.s32 @!p0 $0x1BF5;
	p2 =	por !p2, p0  }
0x20: {  	[sflag:s8] =	ssyncset.s32 @!p0 $0xFFFFF086;
	s6 =	sadd.s32 @!p0 s3, s7;
	s7 =	simm.s32 @!p0 $0x108  }
0x21: {  	s3 =	sadd.s32 s3, s9;
	s6 =	sadd.s32 @!p0 $0x88, s6;
	s7 =	simm.s32 @p2 $0x1082  }
0x22: {  	[simem:s7], [sflag:s8] =	dma.local @!p0 [hbm:s6], $0xF7A  }
0x23: {  	s9 =	sor.u32 $0xD0000000, s2;
	s6 =	simm.s32 $0x108;
	_ =	swait.ge @!p0 [sflag:s8], $0x0  }
0x24: {  	s3 =	sadd.s32 $0x88, s3;
	s6 =	simm.s32 @!p1 $0x1082;
	[sflag:s4] =	ssyncset.s32 $0xFFFFF086  }
0x25: {  	[simem:s6], [sflag:s4] =	dma.local [hbm:s3], $0xF7A  }
0x26: {  	[smem:$0x3F9C] =	sst s1;
	(tag) =	ssettag s2;
	_ =	strace s9  }
0x27: {  	s1 =	sld [smem:$0x3FAC]  }
0x28: {  	s2 =	sld [smem:$0x3FAD]  }
0x29: {  	s4 =	sld [smem:$0x3FAF]  }
0x2a: {  	p0 =	seq.s32 s5, $0x0;
	s5 =	sld [smem:$0x3FB0]  }
0x2b: {  	s6 =	sld [smem:$0x3FB1]  }
0x2c: {  	s7 =	sld [smem:$0x3FB2]  }
0x2d: {  	s3 =	simm.s32 $0x108;
	s8 =	sld [smem:$0x3FB3]  }
0x2e: {  	s3 =	simm.s32 @!p0 $0x1082;
	s9 =	sld [smem:$0x3FB4]  }
0x2f: {  	lr =	sadd.s32 s0, s3;
	s0 =	sld [smem:$0x3FAB]  }
0x30: {  	s3 =	sld [smem:$0x3FAE]  }
0x31: {  	[smem:$0x3FB7] =	sst s10  }
0x32: {  	s10 =	sld [smem:$0x3FB5];
	_ =	sdelay $0x3  }
0x33: {  	p0 =	seq.s32 s10, $0x1;
	s10 =	sld [smem:$0x3FB7];
	_ =	sdelay $0x3  }
0x34: {  	[smem:$0x3FB7] =	sst s10  }
0x35: {  	s10 =	sld [smem:$0x3FB6];
	_ =	sdelay $0x3  }
0x36: {  	p1 =	seq.s32 s10, $0x1;
	s10 =	sld [smem:$0x3FB7];
	_ =	sdelay $0x3  }
0x37: {  	[smem:$0x3FB7] =	sst s10  }
0x38: {  	s10 =	sld [smem:$0x3FB8]  }
0x39: {  	_ = 	snop;
	(pc) =	sbr.ind lr, $3  }
0x3a: {  	_ = 	snop  }
0x3b: {  	_ = 	snop  }
0x3c: {  	p2 =	seq.s32 s10, $0x1;
	s10 =	sld [smem:$0x3FB7]  }
0x3d: {  	_ =	shalt  }
0x3e: {  	_ =	shalt  }
0x3f: {  	_ =	shalt  }
0x40: {  	_ =	shalt  }
0x41: {  	_ =	shalt  }
0x42: {  	_ =	shalt  }
0x43: {  	_ =	shalt  }
0x44: {  	_ =	shalt  }
0x45: {  	_ =	shalt  }
0x46: {  	_ =	shalt  }
0x47: {  	_ =	shalt  }
0x48: {  	_ =	shalt  }
0x49: {  	_ =	shalt  }
0x4a: {  	_ =	shalt  }
0x4b: {  	_ =	shalt  }
0x4c: {  	_ =	shalt  }
0x4d: {  	_ =	shalt  }
0x4e: {  	_ =	shalt  }
0x4f: {  	_ =	shalt  }
0x50: {  	_ =	shalt  }
0x51: {  	_ =	shalt  }
0x52: {  	_ =	shalt  }
0x53: {  	_ =	shalt  }
0x54: {  	_ =	shalt  }
0x55: {  	_ =	shalt  }
0x56: {  	_ =	shalt  }
0x57: {  	_ =	shalt  }
0x58: {  	_ =	shalt  }
0x59: {  	_ =	shalt  }
0x5a: {  	_ =	shalt  }
0x5b: {  	_ =	shalt  }
0x5c: {  	_ =	shalt  }
0x5d: {  	_ =	shalt  }
0x5e: {  	_ =	shalt  }
0x5f: {  	_ =	shalt  }
0x60: {  	_ =	shalt  }
0x61: {  	_ =	shalt  }
0x62: {  	_ =	shalt  }
0x63: {  	_ =	shalt  }
0x64: {  	_ =	shalt  }
0x65: {  	_ =	shalt  }
0x66: {  	_ =	shalt  }
0x67: {  	_ =	shalt  }
0x68: {  	_ =	shalt  }
0x69: {  	_ =	shalt  }
0x6a: {  	_ =	shalt  }
0x6b: {  	_ =	shalt  }
0x6c: {  	_ =	shalt  }
0x6d: {  	_ =	shalt  }
0x6e: {  	_ =	shalt  }
0x6f: {  	_ =	shalt  }
0x70: {  	_ =	shalt  }
0x71: {  	_ =	shalt  }
0x72: {  	_ =	shalt  }
0x73: {  	_ =	shalt  }
0x74: {  	_ =	shalt  }
0x75: {  	_ =	shalt  }
0x76: {  	_ =	shalt  }
0x77: {  	_ =	shalt  }
0x78: {  	_ =	shalt  }
0x79: {  	_ =	shalt  }
0x7a: {  	_ =	shalt  }
0x7b: {  	_ =	shalt  }
0x7c: {  	_ =	shalt  }
0x7d: {  	_ =	shalt  }
0x7e: {  	_ =	shalt  }
0x7f: {  	_ =	shalt  }
0x80: {  	_ =	shalt  }
0x81: {  	_ =	shalt  }
0x82: {  	_ =	shalt  }
0x83: {  	_ =	shalt  }
0x84: {  	_ =	shalt  }
0x85: {  	_ =	shalt  }
0x86: {  	_ =	shalt  }
0x87: {  	_ =	shalt  }
.Lfunc_end0:
.L_simem_size_0:
called_computation_lowered:
.L_overlay_start_0:
0x88: {  	s2 =	sld [smem:$0x3FD9]  }
0x89: {  	s3 =	sld [smem:$0x3FFE];
	_ =	sdelay $0x1  }
0x8a: {  	s1 =	srdreg.scid  }
0x8b: {  	s0 =	sand.u32 $0x1, s1  }
0x8c: {  	s17 =	sshll.u32 s0, $0xA;
	s2 =	sadd.s32 s3, s2  }
0x8d: {  	s2 =	sadd.s32 s2, s17  }
0x8e: {  	[smem:$0x3FC3] =	sst s2  }
0x8f: {  	_ = 	snop  }
0x90: {  	s2 =	sld [smem:$0x3FD0];
	(tm) =	ssettm $0x1  }
0x91: {  	s18 =	sld [smem:$0x3FFB];
	_ =	sdelay $0x3  }
0x92: {  	_ =	strace s18  }
0x93: {  	s3 =	sld [smem:$0x3FFC];
	_ =	sdelay $0x3  }
0x94: {  	_ =	strace s3  }
0x95: {  	s3 =	sld [smem:$0x3FFD];
	_ =	sdelay $0x3  }
0x96: {  	_ =	strace s3  }
0x97: {  	_ =	strace $0x8FFFFFFF  }
0x98: {  	s19 =	sld [smem:$0x3FDB];
	_ =	sdelay $0x1  }
0x99: {  	s4 =	simm.s32 $_scs_section_size  }
0x9a: {  	s5 =	simm.s32 $_size__tile_overlayer_lowered;
	s6 =	simm.s32 $_tile_overlayer_lowered  }
0x9b: {  	s22 =	simm.s32 $0x1BFF;
	s21 =	sshll.u32 s6, $0x1;
	s3 =	sadd.s32 s4, s19  }
0x9c: {  	s7 =	simm.s32 $0x0;
	s20 =	sshll.u32 s5, $0x1;
	s5 =	sadd.s32 s21, s3  }
0x9d: {  	[timem:s7], [sflag:s22] =	dma.local [hbm:s5], s20  }
0x9e: {  	_ =	swait.ge [sflag:s22], s20  }
0x9f: {  	s4 =	ssub.s32 $0x0, s20;
	[sflag:s22] =	ssyncset.done $0x0  }
0xa0: {  	[sflag:s22] =	ssyncadd.s32 s4;
	_ =	sdelay $0x1  }
0xa1: {  	s23 =	simm.s32 $0x1B8B  }
0xa2: {  	_ =	swait.ge [sflag:s23], $0x1  }
0xa3: {  	[sflag:s23] =	ssyncset.done $0x0  }
0xa4: {  	s25 =	simm.s32 $0x1B8E;
	s24 =	sld [smem:$0x3FFE];
	[sflag:s23] =	ssyncadd.s32 $0xFFFFFFFF  }
0xa5: {  	s26 =	simm.s32 $execute0_lowered;
	[smem:$0x3FD2] =	sst s25  }
0xa6: {  	s5 =	sshll.u32 s26, $0x1;
	_ =	strace $0x80000046;
	[dreg:$0x1] =	wrdreg $0xFFFFFFFF  }
0xa7: {  	s28 =	simm.s32 $_size_execute0_lowered;
	s3 =	sadd.s32 s3, s5;
	[dreg:$0x0] =	wrdreg $0x0  }
0xa8: {  	s5 =	sshll.u32 s28, $0x1;
	[dreg:$0x2] =	wrdreg s3  }
0xa9: {  	[dreg:$0x3] =	wrdreg s5  }
0xaa: {  	[dreg:$0x4] =	wrdreg $0xC0  }
0xab: {  	_ =	task [dreg:s7], $0x5FFFF  }
0xac: {  	[dreg:$0x1] =	wrdreg $0xFFFFFFFF  }
0xad: {  	[dreg:$0x0] =	wrdreg $0x60  }
0xae: {  	[dreg:$0x2] =	wrdreg s24  }
0xaf: {  	[dreg:$0x3] =	wrdreg s2  }
0xb0: {  	[dreg:$0x4] =	wrdreg $0x9C600  }
0xb1: {  	[dreg:$0x5] =	wrdreg $0x0  }
0xb2: {  	[dreg:$0x6] =	wrdreg $0x9  }
0xb3: {  	_ =	task.clear_ibuf [dreg:s7], $0x7FFFF;
	_ =	strace $0x90000046  }
0xb4: {  	s29 =	simm.s32 $0x9;
	_ =	strace $0x80000048  }
0xb5: {  	_ =	swait.ge [sflag:s29], $0x1  }
0xb6: {  	[sflag:s29] =	ssyncadd.s32 $0xFFFFFFFF  }
0xb7: {  	_ =	strace $0x90000048  }
0xb8: {  	_ =	sfence  }
0xb9: {  	s30 =	sld [smem:$0x0];
	_ =	sdelay $0x2  }
0xba: {  	s31 =	sshll.u32 s1, $0xD;
	s1 =	sshrl.u32 s1, $0x2  }
0xbb: {  	s3 =	sand.u32 $0x4000, s31;
	s1 =	sadd.s32 s1, s30  }
0xbc: {  	s0 =	sor.u32 s3, s0;
	s1 =	sshll.u32 s1, $0x11  }
0xbd: {  	s0 =	sor.u32 s1, s0  }
0xbe: {  	s0 =	sadd.s32 $0x8F2B, s0  }
0xbf: {  	[sflag:s0] =	ssyncadd.remote.s32 $0x1  }
0xc0: {  	_ =	sfence.sel $0xFFFF  }
0xc1: {  	[dreg:$0x0] =	wrdreg $0xFFFFFFFF;
	(pc) =	sbr.abs _section_cstart, $3  }
0xc2: {  	[dreg:$0x1] =	wrdreg $0xFFFFFFFF  }
0xc3: {  	_ =	task.clear_ibuf [dreg:s7], $0x2FFFF;
	_ =	strace $0x9FFFFFFF  }
0xc4: {  	(tm) =	ssettm $0x7FFFFFFF  }
0xc5: {  	_ =	shalt  }
tec
execute0_lowered:
.L_overlay_start_1:
0x0: {  	(tag) =	ssettag $0x1  }
0x1: {  	s0 =	rddreg [dreg:$0x0]  }
0x2: {  	s4 =	rddreg [dreg:$0x1]  }
0x3: {  	s1 =	rddreg [dreg:$0x2]  }
0x4: {  	s2 =	rddreg [dreg:$0x3]  }
0x5: {  	s3 =	simm.s32 $0x0;
	s6 =	stileid.u32;
	s5 =	srdreg.scid  }
0x6: {  	s28 =	simm.s32 $0x13BC0;
	s29 =	simm.s32 $0x3;
	s30 =	simm.s32 $0x13AC0  }
0x7: {  	s31 =	simm.s32 $0x13A40;
	[smem:$0x7FF] =	sst s3;
	s7 =	smul.u32 $0x9C00, s6  }
0x8: {  	s8 =	sadd.s32 $0x200, s0;
	s9 =	sand.u32 $0x1, s5;
	s10 =	sadd.s32 $0x27400, s0  }
0x9: {  	s14 =	sshll.u32 s6, $0x6;
	s15 =	smul.u32 $0x4F00, s6;
	s26 =	sadd.s32 $0x9C000, s1  }
0xa: {  	s20 =	sadd.s32 $0x9C000, s2;
	p0 =	sne.s32 s6, $0x0;
	_ =	strace $0x80000047  }
0xb: {  	s11 =	ssub.s32 $0x2, s9;
	s13 =	smul.u32 $0x9C600, s9;
	[dreg:$0x7] =	wrdreg s26  }
0xc: {  	s18 =	smul.u32 $0x9C400, s9;
	s20 =	sshrl.u32 @!p0 s20, $0x3;
	s24 =	sshrl.u32 s7, $0x3  }
0xd: {  	s12 =	sshrl.u32 s11, $0x1;
	s19 =	sadd.s32 s7, s2;
	s17 =	sshrl.u32 s15, $0x3  }
0xe: {  	s5 =	sadd.s32 s24, s0;
	s11 =	ssub.s32 s11, s12;
	s12 =	sadd.s32 s7, s1  }
0xf: {  	s25 =	sadd.s32 s7, s13;
	s0 =	sadd.s32 $0x44A00, s0;
	s16 =	sshrl.u32 s13, $0x3  }
0x10: {  	s9 =	sadd.s32 s10, s17;
	s22 =	sadd.s32 s7, s18;
	s23 =	sshrl.u32 s18, $0x3  }
0x11: {  	s24 =	smul.u32 $0x9E0, s6;
	s18 =	simm.s32 $0x7;
	s19 =	sshrl.u32 s19, $0x3  }
0x12: {  	s6 =	simm.s32 $0x13B40;
	s7 =	simm.s32 $0x5;
	s5 =	sadd.s32 $0x31200, s5  }
0x13: {  	[dreg:$0x8] =	wrdreg s0;
	s0 =	sadd.s32 s8, s16;
	s21 =	sadd.s32 $0x10, s9  }
0x14: {  	s13 =	sadd.s32 $0x20, s9;
	s26 =	smax.u32 s11, $0x1;
	[dreg:$0x5] =	wrdreg s5  }
0x15: {  	s17 =	sshrl.u32 s12, $0x3;
	s5 =	sor.u32 $0x1C07, s14;
	[dreg:$0xa] =	wrdreg s21  }
0x16: {  	s14 =	sshrl.u32 s25, $0x3;
	s0 =	sadd.s32 $0x13800, s0;
	[dreg:$0xb] =	wrdreg s13  }
0x17: {  	s25 =	sadd.s32 s4, s23;
	[dreg:$0xe] =	wrdreg s26;
	s16 =	sadd.s32 s24, s10  }
0x18: {  	s23 =	simm.s32 $0x1;
	s24 =	simm.s32 $0x2;
	s26 =	simm.s32 $0x139C0  }
.Ltmp0:
0x19: {  	s10 =	simm.s32 $0x0;
	s14 =	sadd.s32 s8, s14;
	(pc) =	sbr.rel .LBB2_1-.Ltmp0, $4  }
0x1a: {  	[dreg:$0x9] =	wrdreg s0;
	s0 =	sshrl.u32 s22, $0x3;
	s22 =	simm.s32 $0x13940  }
0x1b: {  	s8 =	simm.s32 $0x6;
	[dreg:$0x6] =	wrdreg s14;
	s0 =	sadd.s32 s4, s0  }
0x1c: {  	s4 =	simm.s32 $0x4;
	[dreg:$0xc] =	wrdreg s0;
	s0 =	sadd.s32 $0x13800, s25  }
0x1d: {  	s25 =	simm.s32 $0x80;
	[dreg:$0xd] =	wrdreg s0;
	s0 =	simm.s32 $0x15BC0  }
.LBB2_3:
0x1e: {  	[tilespmem:s0], [sflag:$0x4] =	stream.indirect.gather [spmem:s2], $0x40, s31, s25, $0xb8;
	[tilespmem:$0x17BC0] =	vst v63  }
0x1f: {  	_ =	swait.ge [sflag:s4], $0x2000  }
0x20: {  	[sflag:s4] =	ssyncset.done $0x0  }
0x21: {  	[sflag:s4] =	ssyncadd.s32 $0xFFFFE000  }
0x22: {  	[spmem:s1] =	stream.indirect.scatter.add.f32 [tilespmem:s0], [sflag:$0x6], $0x40, s6, s25, $0xb8;
	[tilespmem:$0x17BC0] =	vst v63  }
0x23: {  	_ =	swait.ge [sflag:s7], $0x2000  }
0x24: {  	[sflag:s7] =	ssyncset.done $0x0  }
0x25: {  	[sflag:s7] =	ssyncadd.s32 $0xFFFFE000  }
.LBB2_5:
0x26: {  	_ =	swait.ge [sflag:s8], $0x2000  }
0x27: {  	[sflag:s8] =	ssyncset.done $0x0  }
0x28: {  	[sflag:s8] =	ssyncadd.s32 $0xFFFFE000  }
0x29: {  	[bflag:$0x0] =	sbarrier.arrive $0xFFFF  }
0x2a: {  	s12 =	rddreg [dreg:$0xc]  }
0x2b: {  	[hbm:s12], [sflag:s5] =	dma.local [spmem:s17], $0x1380  }
0x2c: {  	_ =	swait.ge [sflag:s18], $0x1380  }
0x2d: {  	[sflag:s18] =	ssyncset.done $0x0  }
0x2e: {  	s12 =	rddreg [dreg:$0xd];
	[sflag:s18] =	ssyncadd.s32 $0xFFFFEC80  }
0x2f: {  	[hbm:s12], [sflag:s5] =	dma.local @!p0 [spmem:s11], $0x80  }
0x30: {  	s11 =	simm.s32 @!p0 $0x7  }
0x31: {  	_ =	swait.ge @!p0 [sflag:s11], $0x80  }
0x32: {  	s10 =	sadd.s32 $0x1, s10;
	s21 =	rddreg [dreg:$0xe]  }
0x33: {  	p1 =	sne.s32 s10, s21  }
.Ltmp1:
0x34: {  	_ = 	snop;
	(pc) =	sbr.rel @!p1 .LBB2_6-.Ltmp1, $3  }
0x35: {  	_ =	sdelay $0x1  }
0x36: {  	[sflag:s11] =	ssyncset.done @!p0 $0x0  }
0x37: {  	[sflag:s11] =	ssyncadd.s32 @!p0 $0xFFFFFF80  }
.LBB2_1:
0x38: {  	s11 =	rddreg [dreg:$0x5]  }
0x39: {  	[spmem:s17], [sflag:s5] =	dma.local [hbm:s11], $0x1380  }
0x3a: {  	_ =	swait.ge [sflag:s18], $0x1380  }
0x3b: {  	[sflag:s18] =	ssyncset.done $0x0  }
0x3c: {  	s13 =	rddreg [dreg:$0x6];
	[sflag:s18] =	ssyncadd.s32 $0xFFFFEC80  }
0x3d: {  	[spmem:s19], [sflag:s5] =	dma.local [hbm:s13], $0x1380  }
0x3e: {  	_ =	swait.ge [sflag:s18], $0x1380  }
0x3f: {  	[sflag:s18] =	ssyncset.done $0x0;
	s11 =	rddreg [dreg:$0x7]  }
0x40: {  	s12 =	rddreg [dreg:$0x8];
	[sflag:s18] =	ssyncadd.s32 $0xFFFFEC80;
	s11 =	sshrl.u32 @!p0 s11, $0x3  }
0x41: {  	[spmem:s11], [sflag:s5] =	dma.local @!p0 [hbm:s12], $0xC0  }
0x42: {  	s12 =	simm.s32 @!p0 $0x7  }
0x43: {  	_ =	swait.ge @!p0 [sflag:s12], $0xC0  }
0x44: {  	[sflag:s12] =	ssyncset.done @!p0 $0x0  }
0x45: {  	s13 =	rddreg [dreg:$0x9];
	[sflag:s12] =	ssyncadd.s32 @!p0 $0xFFFFFF40  }
0x46: {  	[spmem:s20], [sflag:s5] =	dma.local @!p0 [hbm:s13], $0xC0  }
0x47: {  	_ =	swait.ge @!p0 [sflag:s12], $0xC0  }
0x48: {  	[sflag:s12] =	ssyncset.done @!p0 $0x0  }
0x49: {  	[sflag:s12] =	ssyncadd.s32 @!p0 $0xFFFFFF40  }
0x4a: {  	s14 =	simm.s32 $0x138C0;
	[bflag:$0x0] =	sbarrier.arrive $0xFFFF  }
0x4b: {  	[tilespmem:s14], [sflag:$0x1] =	stream.linear.gather [hbm4b:s9+s3], $0x80, $0x38;
	[tilespmem:$0x17BC0] =	vst v63  }
0x4c: {  	s15 =	rddreg [dreg:$0xa]  }
0x4d: {  	[tilespmem:s22], [sflag:$0x2] =	stream.linear.gather [hbm4b:s15+s3], $0x80, $0x38;
	[tilespmem:$0x17BC0] =	vst v63  }
0x4e: {  	_ =	swait.ge [sflag:s23], $0x80  }
0x4f: {  	[sflag:s23] =	ssyncset.done $0x0  }
0x50: {  	[sflag:s23] =	ssyncadd.s32 $0xFFFFFF80  }
0x51: {  	v0 =	vld [tilespmem:$0x138C0]  }
0x52: {  	v1 =	vld [tilespmem:$0x138D0]  }
0x53: {  	v2 =	vld [tilespmem:$0x138E0]  }
0x54: {  	v3 =	vld [tilespmem:$0x138F0]  }
0x55: {  	v4 =	vld [tilespmem:$0x13900]  }
0x56: {  	v5 =	vld [tilespmem:$0x13910];
	v0 =	vand.u32 $0xFFFF, v0  }
0x57: {  	v25 =	vld [tilespmem:$0x13920];
	v24 =	vand.u32 $0xFFFF, v1;
	[tilespmem:$0x139C0] =	vst v0  }
0x58: {  	v27 =	vld [tilespmem:$0x13930];
	v26 =	vand.u32 $0xFFFF, v2;
	[tilespmem:$0x139D0] =	vst v24  }
0x59: {  	v29 =	vld [tilespmem:$0x138C0];
	v28 =	vand.u32 $0xFFFF, v3;
	[tilespmem:$0x139E0] =	vst v26  }
0x5a: {  	v31 =	vld [tilespmem:$0x138D0];
	v30 =	vand.u32 $0xFFFF, v4;
	[tilespmem:$0x139F0] =	vst v28  }
0x5b: {  	v33 =	vld [tilespmem:$0x138E0];
	v32 =	vand.u32 $0xFFFF, v5;
	[tilespmem:$0x13A00] =	vst v30  }
0x5c: {  	v35 =	vld [tilespmem:$0x138F0];
	v34 =	vand.u32 $0xFFFF, v25;
	[tilespmem:$0x13A10] =	vst v32  }
0x5d: {  	v37 =	vld [tilespmem:$0x13900];
	v36 =	vand.u32 $0xFFFF, v27;
	[tilespmem:$0x13A20] =	vst v34  }
0x5e: {  	v39 =	vld [tilespmem:$0x13910];
	v38 =	vshra.s32 v29, $0x10;
	[tilespmem:$0x13A30] =	vst v36  }
0x5f: {  	v41 =	vld [tilespmem:$0x13920];
	v40 =	vshra.s32 v31, $0x10;
	[tilespmem:$0x13AC0] =	vst v38  }
0x60: {  	v43 =	vld [tilespmem:$0x13930];
	v42 =	vshra.s32 v33, $0x10;
	[tilespmem:$0x13AD0] =	vst v40  }
0x61: {  	v44 =	vshra.s32 v35, $0x10;
	[tilespmem:$0x13AE0] =	vst v42  }
0x62: {  	v45 =	vshra.s32 v37, $0x10;
	[tilespmem:$0x13AF0] =	vst v44  }
0x63: {  	v46 =	vshra.s32 v39, $0x10;
	[tilespmem:$0x13B00] =	vst v45  }
0x64: {  	v47 =	vshra.s32 v41, $0x10;
	[tilespmem:$0x13B10] =	vst v46  }
0x65: {  	v48 =	vshra.s32 v43, $0x10;
	[tilespmem:$0x13B20] =	vst v47  }
0x66: {  	s21 =	rddreg [dreg:$0xb];
	[tilespmem:$0x13B30] =	vst v48  }
0x67: {  	[tilespmem:s14], [sflag:$0x1] =	stream.linear.gather [hbm4b:s21+s3], $0x80, $0x38;
	[tilespmem:$0x17BC0] =	vst v63  }
0x68: {  	_ =	swait.ge [sflag:s24], $0x80  }
0x69: {  	[sflag:s24] =	ssyncset.done $0x0  }
0x6a: {  	[sflag:s24] =	ssyncadd.s32 $0xFFFFFF80  }
0x6b: {  	v49 =	vld [tilespmem:$0x13940]  }
0x6c: {  	v50 =	vld [tilespmem:$0x13950]  }
0x6d: {  	v51 =	vld [tilespmem:$0x13960]  }
0x6e: {  	v52 =	vld [tilespmem:$0x13970]  }
0x6f: {  	v53 =	vld [tilespmem:$0x13980]  }
0x70: {  	v54 =	vld [tilespmem:$0x13990];
	v0 =	vand.u32 $0xFFFF, v49  }
0x71: {  	v56 =	vld [tilespmem:$0x139A0];
	v55 =	vand.u32 $0xFFFF, v50;
	[tilespmem:$0x13A40] =	vst v0  }
0x72: {  	v58 =	vld [tilespmem:$0x139B0];
	v57 =	vand.u32 $0xFFFF, v51;
	[tilespmem:$0x13A50] =	vst v55  }
0x73: {  	v59 =	vand.u32 $0xFFFF, v52;
	[tilespmem:$0x13A60] =	vst v57  }
0x74: {  	v60 =	vand.u32 $0xFFFF, v53;
	[tilespmem:$0x13A70] =	vst v59  }
0x75: {  	v61 =	vand.u32 $0xFFFF, v54;
	[tilespmem:$0x13A80] =	vst v60  }
0x76: {  	v62 =	vand.u32 $0xFFFF, v56;
	[tilespmem:$0x13A90] =	vst v61  }
0x77: {  	v63 =	vand.u32 $0xFFFF, v58;
	[tilespmem:$0x13AA0] =	vst v62  }
0x78: {  	s13 =	simm.s32 $0x0;
	s12 =	simm.s32 $0x0;
	[tilespmem:$0x13AB0] =	vst v63  }
0x79: {  	[tilespmem:s28], [sflag:$0x3] =	stream.indirect.gather [spmem:s2], $0x40, s26, s25, $0xb8;
	[tilespmem:$0x17BC0] =	vst v63  }
.LBB2_2:
0x7a: {  	_ =	swait.ge [sflag:s29], $0x2000  }
0x7b: {  	p1 =	seq.s32 s12, $0x9C0;
	[sflag:s29] =	ssyncset.done $0x0  }
0x7c: {  	s14 =	simm.s32 @!p1 $0x1;
	[sflag:s29] =	ssyncadd.s32 $0xFFFFE000  }
0x7d: {  	[spmem:s1] =	stream.indirect.scatter.add.f32 [tilespmem:s28], [sflag:$0x5], $0x40, s30, s25, $0xb8;
	[tilespmem:$0x17BC0] =	vst v63  }
0x7e: {  	_ =	swait.ge @!p1 [sflag:s14], $0x80  }
0x7f: {  	[sflag:s14] =	ssyncset.done @!p1 $0x0  }
0x80: {  	[sflag:s14] =	ssyncadd.s32 @!p1 $0xFFFFFF80  }
0x81: {  	v0 =	vld @!p1 [tilespmem:$0x138C0]  }
0x82: {  	v1 =	vld @!p1 [tilespmem:$0x138D0]  }
0x83: {  	v2 =	vld @!p1 [tilespmem:$0x138E0]  }
0x84: {  	v3 =	vld @!p1 [tilespmem:$0x138F0]  }
0x85: {  	v4 =	vld @!p1 [tilespmem:$0x13900]  }
0x86: {  	v5 =	vld @!p1 [tilespmem:$0x13910];
	v0 =	vand.u32 @!p1 $0xFFFF, v0  }
0x87: {  	[tilespmem:$0x139C0] =	vst @!p1 v0;
	v0 =	vand.u32 @!p1 $0xFFFF, v1;
	v1 =	vld @!p1 [tilespmem:$0x13920]  }
0x88: {  	[tilespmem:$0x139D0] =	vst @!p1 v0;
	v0 =	vand.u32 @!p1 $0xFFFF, v2;
	v2 =	vld @!p1 [tilespmem:$0x13930]  }
0x89: {  	[tilespmem:$0x139E0] =	vst @!p1 v0;
	v0 =	vand.u32 @!p1 $0xFFFF, v3  }
0x8a: {  	[tilespmem:$0x139F0] =	vst @!p1 v0;
	v0 =	vand.u32 @!p1 $0xFFFF, v4  }
0x8b: {  	[tilespmem:$0x13A00] =	vst @!p1 v0;
	v0 =	vand.u32 @!p1 $0xFFFF, v5  }
0x8c: {  	[tilespmem:$0x13A10] =	vst @!p1 v0;
	v0 =	vand.u32 @!p1 $0xFFFF, v1  }
0x8d: {  	p2 =	seq.s32 @!p1 s12, $0x0;
	[tilespmem:$0x13A20] =	vst @!p1 v0;
	v0 =	vand.u32 @!p1 $0xFFFF, v2  }
0x8e: {  	p2 =	por p1, !p2;
	[tilespmem:$0x13A30] =	vst @!p1 v0  }
0x8f: {  	_ =	swait.ge @p2 [sflag:s8], $0x2000  }
0x90: {  	[sflag:s8] =	ssyncset.done @p2 $0x0  }
0x91: {  	[sflag:s8] =	ssyncadd.s32 @p2 $0xFFFFE000  }
0x92: {  	v49 =	vld [tilespmem:$0x13940]  }
0x93: {  	v50 =	vld [tilespmem:$0x13950]  }
0x94: {  	v51 =	vld [tilespmem:$0x13960]  }
0x95: {  	v52 =	vld [tilespmem:$0x13970]  }
0x96: {  	v53 =	vld [tilespmem:$0x13980]  }
0x97: {  	v54 =	vld [tilespmem:$0x13990];
	v0 =	vshra.s32 v49, $0x10  }
0x98: {  	v56 =	vld [tilespmem:$0x139A0];
	v55 =	vshra.s32 v50, $0x10;
	[tilespmem:$0x13B40] =	vst v0  }
0x99: {  	v58 =	vld [tilespmem:$0x139B0];
	v57 =	vshra.s32 v51, $0x10;
	[tilespmem:$0x13B50] =	vst v55  }
0x9a: {  	p1 =	sne.s32 s12, $0x9C0;
	v59 =	vshra.s32 v52, $0x10;
	[tilespmem:$0x13B60] =	vst v57  }
.Ltmp2:
0x9b: {  	v60 =	vshra.s32 v53, $0x10;
	[tilespmem:$0x13B70] =	vst v59;
	(pc) =	sbr.rel @!p1 .LBB2_3-.Ltmp2, $4  }
0x9c: {  	v61 =	vshra.s32 v54, $0x10;
	[tilespmem:$0x13B80] =	vst v60  }
0x9d: {  	v62 =	vshra.s32 v56, $0x10;
	[tilespmem:$0x13B90] =	vst v61  }
0x9e: {  	v63 =	vshra.s32 v58, $0x10;
	[tilespmem:$0x13BA0] =	vst v62  }
0x9f: {  	[tilespmem:$0x13BB0] =	vst v63  }
0xa0: {  	s14 =	sadd.s32 s12, s16  }
0xa1: {  	s14 =	sadd.s32 $0x30, s14  }
0xa2: {  	[tilespmem:s22], [sflag:$0x2] =	stream.linear.gather [hbm4b:s14+s3], $0x80, $0x38;
	[tilespmem:$0x17BC0] =	vst v63  }
0xa3: {  	_ = 	snop  }
0xa4: {  	[tilespmem:s0], [sflag:$0x4] =	stream.indirect.gather [spmem:s2], $0x40, s31, s25, $0xb8;
	[tilespmem:$0x17BC0] =	vst v63  }
0xa5: {  	_ =	swait.ge [sflag:s4], $0x2000  }
0xa6: {  	[sflag:s4] =	ssyncset.done $0x0  }
0xa7: {  	[sflag:s4] =	ssyncadd.s32 $0xFFFFE000  }
0xa8: {  	[spmem:s1] =	stream.indirect.scatter.add.f32 [tilespmem:s0], [sflag:$0x6], $0x40, s6, s25, $0xb8;
	[tilespmem:$0x17BC0] =	vst v63  }
0xa9: {  	_ =	swait.ge [sflag:s24], $0x80  }
0xaa: {  	[sflag:s24] =	ssyncset.done $0x0  }
0xab: {  	[sflag:s24] =	ssyncadd.s32 $0xFFFFFF80  }
0xac: {  	v0 =	vld [tilespmem:$0x13940]  }
0xad: {  	v1 =	vld [tilespmem:$0x13950]  }
0xae: {  	v2 =	vld [tilespmem:$0x13960]  }
0xaf: {  	v3 =	vld [tilespmem:$0x13970]  }
0xb0: {  	v4 =	vld [tilespmem:$0x13980]  }
0xb1: {  	v5 =	vld [tilespmem:$0x13990];
	v0 =	vand.u32 $0xFFFF, v0  }
0xb2: {  	v41 =	vld [tilespmem:$0x139A0];
	v40 =	vand.u32 $0xFFFF, v1;
	[tilespmem:$0x13A40] =	vst v0  }
0xb3: {  	v43 =	vld [tilespmem:$0x139B0];
	v42 =	vand.u32 $0xFFFF, v2;
	[tilespmem:$0x13A50] =	vst v40  }
0xb4: {  	v44 =	vand.u32 $0xFFFF, v3;
	[tilespmem:$0x13A60] =	vst v42  }
0xb5: {  	v45 =	vand.u32 $0xFFFF, v4;
	[tilespmem:$0x13A70] =	vst v44  }
0xb6: {  	v46 =	vand.u32 $0xFFFF, v5;
	[tilespmem:$0x13A80] =	vst v45  }
0xb7: {  	v47 =	vand.u32 $0xFFFF, v41;
	[tilespmem:$0x13A90] =	vst v46  }
0xb8: {  	v48 =	vand.u32 $0xFFFF, v43;
	[tilespmem:$0x13AA0] =	vst v47  }
0xb9: {  	[tilespmem:$0x13AB0] =	vst v48  }
0xba: {  	_ =	swait.ge [sflag:s7], $0x2000  }
0xbb: {  	[sflag:s7] =	ssyncset.done $0x0  }
0xbc: {  	[sflag:s7] =	ssyncadd.s32 $0xFFFFE000  }
0xbd: {  	v49 =	vld [tilespmem:$0x138C0]  }
0xbe: {  	v50 =	vld [tilespmem:$0x138D0]  }
0xbf: {  	v51 =	vld [tilespmem:$0x138E0]  }
0xc0: {  	v52 =	vld [tilespmem:$0x138F0]  }
0xc1: {  	v53 =	vld [tilespmem:$0x13900]  }
0xc2: {  	v54 =	vld [tilespmem:$0x13910];
	v0 =	vshra.s32 v49, $0x10  }
0xc3: {  	v56 =	vld [tilespmem:$0x13920];
	v55 =	vshra.s32 v50, $0x10;
	[tilespmem:$0x13AC0] =	vst v0  }
0xc4: {  	v58 =	vld [tilespmem:$0x13930];
	v57 =	vshra.s32 v51, $0x10;
	[tilespmem:$0x13AD0] =	vst v55  }
0xc5: {  	v59 =	vshra.s32 v52, $0x10;
	[tilespmem:$0x13AE0] =	vst v57  }
0xc6: {  	v60 =	vshra.s32 v53, $0x10;
	[tilespmem:$0x13AF0] =	vst v59  }
0xc7: {  	v61 =	vshra.s32 v54, $0x10;
	[tilespmem:$0x13B00] =	vst v60  }
0xc8: {  	v62 =	vshra.s32 v56, $0x10;
	[tilespmem:$0x13B10] =	vst v61  }
0xc9: {  	p1 =	sgt.u32 s13, $0x4C;
	v63 =	vshra.s32 v58, $0x10;
	[tilespmem:$0x13B20] =	vst v62  }
0xca: {  	s15 =	simm.s32 @!p1 $0x0;
	s14 =	sadd.s32 @!p1 s12, s16;
	[tilespmem:$0x13B30] =	vst v63  }
0xcb: {  	[tilespmem:s28], [sflag:$0x3] =	stream.indirect.gather [spmem:s2], $0x40, s26, s25, $0xb8;
	[tilespmem:$0x17BC0] =	vst v63  }
0xcc: {  	s21 =	simm.s32 @!p1 $0x138C0;
	s12 =	sadd.s32 $0x20, s12;
	s14 =	sadd.s32 @!p1 $0x40, s14  }
0xcd: {  	[tilespmem:s21], [sflag:$0x1] =	stream.linear.gather @!p1 [hbm4b:s14+s15], $0x80, $0x38;
	[tilespmem:$0x17BC0] =	vst v63  }
0xce: {  	p1 =	sne.s32 s12, $0x9E0  }
.Ltmp3:
0xcf: {  	_ = 	snop;
	(pc) =	sbr.rel @p1 .LBB2_2-.Ltmp3, $4  }
.Ltmp4:
0xd0: {  	_ = 	snop;
	(pc) =	sbr.rel @!p1 .LBB2_5-.Ltmp4, $4  }
0xd1: {  	_ = 	snop  }
0xd2: {  	_ = 	snop  }
0xd3: {  	s13 =	sadd.s32 $0x1, s13  }
0xd4: {  	_ = 	snop  }
.LBB2_6:
0xd5: {  	_ =	sfence.sel $0x180000  }
0xd6: {  	[bflag:$0x0] =	sbarrier.arrive $0xFFFF  }
0xd7: {  	_ =	strace $0x90000047  }
0xd8: {  	[bflag:$0x2] =	sbarrier.arrive $0xFFFF  }
0xd9: {  	s0 =	rddreg [dreg:$0x4]  }
0xda: {  	s0 =	sadd.s32 @!p0 $0x100000, s0  }
0xdb: {  	[sflag:s0] =	ssyncadd.tile.s32 @!p0 $0x1;
	_ =	shalt  }
.Lfunc_end2:
_tile_overlayer_lowered:
.L_overlay_start_2:
0xdc: {  	(tag) =	ssettag $0x2  }
0xdd: {  	s0 =	rddreg [dreg:$0x0];
	s2 =	stileid.u32  }
0xde: {  	s1 =	rddreg [dreg:$0x1];
	p0 =	sne.s32 s2, $0x0  }
0xdf: {  	s3 =	rddreg [dreg:$0x2];
	[bflag:$0x3] =	sbarrier.arrive $0xFFFF;
	s2 =	simm.s32 @!p0 $0x1C07  }
0xe0: {  	[timem:s3], [sflag:s2] =	dma.local @!p0 [hbm:s0], s1  }
0xe1: {  	s0 =	simm.s32 @!p0 $0x7  }
0xe2: {  	_ =	swait.ge @!p0 [sflag:s0], s1  }
0xe3: {  	s1 =	ssub.s32 @!p0 $0x0, s1;
	[sflag:s0] =	ssyncset.done @!p0 $0x0  }
0xe4: {  	[sflag:s0] =	ssyncadd.s32 @!p0 s1  }
0xe5: {  	[bflag:$0x3] =	sbarrier.arrive $0xFFFF  }
0xe6: {  	_ =	shalt  }

</sc_bundles>
